<compile_context>
chip_gen: v7x
topology: tpu7x:2x2x1
jax: 0.10.2.dev20260603
libtpu: 0.0.44.dev20260713+nightly
codegen_flags: <defaults>
</compile_context>

<pallas_src>
import functools

import jax
import jax.numpy as jnp
from jax import lax
from jax.experimental import pallas as pl
from jax.experimental.pallas import tpu as pltpu
from jax.experimental.pallas import tpu_sc as plsc

_IDENT_KIND = 4
_KIND_LO = 4
_KIND_HI = 7

_BLK = 128
_PAD = 512
_TC_ROWS = 2048


def _sc_gather_scatter(idx_kos, pos_kos, idx_id, pos_id, params,
                       kos_table_2d, enc_table_2d, n_pad_rows):
  info = plsc.get_sparse_core_info()
  nc, ns = info.num_cores, info.num_subcores
  mesh = plsc.VectorSubcoreMesh(core_axis_name="c", subcore_axis_name="s")

  @functools.partial(
      pl.kernel,
      mesh=mesh,
      compiler_params=pltpu.CompilerParams(use_tc_tiling_on_sc=False),
      out_type=jax.ShapeDtypeStruct((n_pad_rows, 64), jnp.float32),
      scratch_types=[
          pltpu.VMEM((16,), jnp.int32),
          pltpu.VMEM((_BLK,), jnp.int32),
          pltpu.VMEM((_BLK,), jnp.int32),
          pltpu.VMEM((_BLK, 64), jnp.float32),
      ],
  )
  def sc_kernel(idx_kos_h, pos_kos_h, idx_id_h, pos_id_h, params_h,
                kos_h, enc_h, base_h, pvv, idxv, posv, rowsv):
    wid = lax.axis_index("s") * nc + lax.axis_index("c")
    pltpu.sync_copy(params_h, pvv)
    pvec = pvv[...]
    ck_kos = pvec[0]
    ck_id = pvec[1]

    def do_class(idx_h, pos_h, table_h, ck):
      nb = (ck + (_BLK - 1)) // _BLK
      start = wid * ck

      def blk(b, carry):
        c0 = pl.multiple_of(start + b * _BLK, 8)
        pltpu.sync_copy(idx_h.at[pl.ds(c0, _BLK)], idxv)
        pltpu.sync_copy(pos_h.at[pl.ds(c0, _BLK)], posv)
        pltpu.sync_copy(table_h.at[idxv], rowsv)
        pltpu.sync_copy(rowsv, base_h.at[posv])
        return carry

      lax.fori_loop(0, nb, blk, 0)

    do_class(idx_kos_h, pos_kos_h, kos_h, ck_kos)
    do_class(idx_id_h, pos_id_h, enc_h, ck_id)

  return sc_kernel(idx_kos, pos_kos, idx_id, pos_id, params,
                   kos_table_2d, enc_table_2d)


def _tc_project(tok3d, base, kind_table, w_proj, b_proj, n_rows):
  grid = n_rows // _TC_ROWS

  def tc_kernel(tok_ref, base_ref, kind_ref, w_ref, b_ref, out_ref):
    tokf = tok_ref[0, 0, :].astype(jnp.float32)
    tok_col = tokf.reshape(_TC_ROWS, 1)
    oh = (tok_col
          == lax.broadcasted_iota(jnp.int32, (_TC_ROWS, 16), 1
                                  ).astype(jnp.float32)
          ).astype(jnp.float32)
    kmat = jnp.dot(kind_ref[...], w_ref[:64, :],
                   preferred_element_type=jnp.float32)
    kind_part = jnp.dot(oh, kmat, preferred_element_type=jnp.float32)
    valid = (tok_col >= float(_KIND_LO)) & (tok_col <= float(_KIND_HI))
    base_m = jnp.where(jnp.broadcast_to(valid, (_TC_ROWS, 64)),
                       base_ref[...], 0.0)
    kos_part = jnp.dot(base_m, w_ref[64:, :],
                       preferred_element_type=jnp.float32)
    out_ref[...] = jnp.maximum(kind_part + kos_part + b_ref[0, :], 0.0)

  return pl.pallas_call(
      tc_kernel,
      grid=(grid,),
      in_specs=[
          pl.BlockSpec((1, 1, _TC_ROWS), lambda i: (i, 0, 0)),
          pl.BlockSpec((_TC_ROWS, 64), lambda i: (i, 0)),
          pl.BlockSpec((16, 64), lambda i: (0, 0)),
          pl.BlockSpec((128, 64), lambda i: (0, 0)),
          pl.BlockSpec((1, 64), lambda i: (0, 0)),
      ],
      out_specs=pl.BlockSpec((_TC_ROWS, 64), lambda i: (i, 0)),
      out_shape=jax.ShapeDtypeStruct((n_rows, 64), jnp.float32),
  )(tok3d, base, kind_table, w_proj, b_proj)


def kernel(token_type, kos_token_index, identifier_index, encoded_identifiers,
           kos_table, kind_table, W_proj, b_proj):
  bt, st = token_type.shape
  n = bt * st
  flat = token_type.reshape(-1)

  is_id = flat == _IDENT_KIND
  is_kos = (flat >= 5) & (flat <= 7)
  n_id = jnp.sum(is_id.astype(jnp.int32))
  n_kos = jnp.sum(is_kos.astype(jnp.int32))

  pos_id = jnp.nonzero(is_id, size=n, fill_value=n)[0].astype(jnp.int32)
  pos_kos = jnp.nonzero(is_kos, size=n, fill_value=n)[0].astype(jnp.int32)
  zpad = jnp.zeros((_PAD,), jnp.int32)
  npad = jnp.full((_PAD,), n, jnp.int32)
  pos_id = jnp.concatenate([pos_id, npad])
  pos_kos = jnp.concatenate([pos_kos, npad])
  idx_id = jnp.concatenate([identifier_index.astype(jnp.int32), zpad])
  idx_kos = jnp.concatenate([kos_token_index.astype(jnp.int32), zpad])

  nw = 32
  ck_kos = ((n_kos + nw - 1) // nw + 7) // 8 * 8
  ck_id = ((n_id + nw - 1) // nw + 7) // 8 * 8
  params = jnp.zeros((16,), jnp.int32)
  params = params.at[0].set(ck_kos).at[1].set(ck_id)

  n_pad_rows = _TC_ROWS * ((n + 8 + _TC_ROWS - 1) // _TC_ROWS)
  base = _sc_gather_scatter(idx_kos, pos_kos, idx_id, pos_id, params,
                            kos_table, encoded_identifiers, n_pad_rows)

  tok3d = flat.reshape(n // _TC_ROWS, 1, _TC_ROWS)
  out = _tc_project(tok3d, base, kind_table, W_proj,
                    b_proj.reshape(1, 64), n)
  return out.reshape(bt, st, 64)

# --- scband reference (transcript-rebuilt; emitter-appended) ---
"""Pipeline reference for scband-code-tokens-embedder-29609504539040 (READ-ONLY COPY).

The authoritative reference and input builder live on the scoring server;
editing this copy changes nothing except your own understanding.
"""

import jax, jax.numpy as jnp
import numpy as np

VOCAB_KOS = 1000000
VOCAB_KINDS = 16
D_KOS = 64
D_KIND = 64
D_ENC = 64
N_IDENT = 100000
B, S = 1024, 200
PAD_IDX = 0
IDENTIFIER_KIND = 4
OPERATOR_KIND = 5
SEPARATOR_KIND = 6
KEYWORD_KIND = 7


def setup_inputs(seed: int = 0):
    key = jax.random.key(seed)
    ks = jax.random.split(key, 8)
    token_type = jax.random.randint(ks[0], (B, S), 0, VOCAB_KINDS, dtype=jnp.int32)
    kos_token_index = jax.random.randint(ks[1], (B * S,), 0, VOCAB_KOS, dtype=jnp.int32)
    identifier_index = jax.random.randint(ks[2], (B * S,), 0, N_IDENT, dtype=jnp.int32)
    encoded_identifiers = jax.random.normal(ks[3], (N_IDENT, D_KOS), dtype=jnp.float32)
    kos_table = jax.random.normal(ks[4], (VOCAB_KOS, D_KOS), dtype=jnp.float32) * 0.02
    kos_table = kos_table.at[PAD_IDX].set(0.0)
    kind_table = jax.random.normal(ks[5], (VOCAB_KINDS, D_KIND), dtype=jnp.float32) * 0.02
    kind_table = kind_table.at[PAD_IDX].set(0.0)
    W_proj = jax.random.normal(ks[6], (D_KIND + D_KOS, D_ENC), dtype=jnp.float32) * 0.05
    b_proj = jnp.zeros((D_ENC,), dtype=jnp.float32)
    return {
        "token_type": token_type,
        "kos_token_index": kos_token_index,
        "identifier_index": identifier_index,
        "encoded_identifiers": encoded_identifiers,
        "kos_table": kos_table,
        "kind_table": kind_table,
        "W_proj": W_proj,
        "b_proj": b_proj,
    }


def _masked_scatter_rows(base, mask_rows, source):
    # Faithful row-wise masked_scatter_: masked row i receives source row
    # equal to the number of masked rows strictly before i (in-order fill).
    idx = jnp.cumsum(mask_rows.astype(jnp.int32)) - 1
    idx = jnp.clip(idx, 0, source.shape[0] - 1)
    return jnp.where(mask_rows[:, None], source[idx], base)


def reference(token_type, kos_token_index, identifier_index, encoded_identifiers,
              kos_table, kind_table, W_proj, b_proj):
    Bt, St = token_type.shape
    # embedding lookups (gathers)
    token_kind_embeddings = kind_table[token_type]            # [B, S, D_KIND]
    kos_tokens_embeddings = kos_table[kos_token_index]        # [B*S, D_KOS]
    identifiers_occurrences_embeddings = encoded_identifiers[identifier_index]  # [B*S, D_KOS]
    flat_type = token_type.reshape(-1)
    is_identifier = flat_type == IDENTIFIER_KIND
    is_kos = (flat_type == OPERATOR_KIND) | (flat_type == SEPARATOR_KIND) | (flat_type == KEYWORD_KIND)
    base = jnp.zeros((Bt * St, D_KOS), dtype=identifiers_occurrences_embeddings.dtype)
    base = _masked_scatter_rows(base, is_identifier, identifiers_occurrences_embeddings)
    base = _masked_scatter_rows(base, is_kos, kos_tokens_embeddings)
    kos_or_identifier = base.reshape(Bt, St, D_KOS)
    final_token_embeddings = jnp.concatenate([token_kind_embeddings, kos_or_identifier], axis=-1)
    # dropout_rate = 0.0 -> identity
    projected = jnp.maximum(final_token_embeddings @ W_proj + b_proj, 0.0)
    # nr_out_linear_layers = 1 -> no additional linear layers
    return projected

if __name__ == "__main__":
    import jax
    _d = setup_inputs()
    print(jax.jit(kernel)(*tuple(_d.values())))

</pallas_src>

<mosaic_0001>
#map = affine_map<(d0, d1) -> (0)>
#map1 = affine_map<(d0, d1) -> (0, 0)>
module attributes {stable_mosaic.version = 14 : i64} {
  func.func @sc_kernel(%arg0: i32, %arg1: i32, %arg2: memref<205312xi32, #tpu.memory_space<hbm>>, %arg3: memref<205312xi32, #tpu.memory_space<hbm>>, %arg4: memref<205312xi32, #tpu.memory_space<hbm>>, %arg5: memref<205312xi32, #tpu.memory_space<hbm>>, %arg6: memref<16xi32, #tpu.memory_space<hbm>>, %arg7: memref<1000000x64xf32, #tpu.memory_space<hbm>>, %arg8: memref<100000x64xf32, #tpu.memory_space<hbm>>, %arg9: memref<206848x64xf32, #tpu.memory_space<hbm>>, %arg10: memref<16xi32, #tpu.memory_space<vmem>>, %arg11: memref<128xi32, #tpu.memory_space<vmem>>, %arg12: memref<128xi32, #tpu.memory_space<vmem>>, %arg13: memref<128x64xf32, #tpu.memory_space<vmem>>) attributes {dimension_semantics = [#tpu.dimension_semantics<core_parallel>, #tpu.dimension_semantics<subcore_parallel>], iteration_bounds = array<i64: 2, 16>, scalar_prefetch = 0 : i64, scratch_operands = 4 : i64, tpu.core_type = #tpu.core_type<sc_vector_subcore>, window_params = [{transform_indices = #map}, {transform_indices = #map}, {transform_indices = #map}, {transform_indices = #map}, {transform_indices = #map}, {transform_indices = #map1}, {transform_indices = #map1}, {transform_indices = #map1}]} {
    %mul3A = arith.constant 2 : i32
    %mul3A_0 = arith.muli %arg1, %mul3A : i32
    %add3A = arith.addi %mul3A_0, %arg0 : i32
    "tpu.region"() ({
      %run_scoped3A = tpu.sem_alloc : memref<!tpu.dma_semaphore, #tpu.memory_space<semaphore_mem>>
      tpu.enqueue_dma source(%arg6 : memref<16xi32, #tpu.memory_space<hbm>>) target(%arg10 : memref<16xi32, #tpu.memory_space<vmem>>) target_semaphore(%run_scoped3A : memref<!tpu.dma_semaphore, #tpu.memory_space<semaphore_mem>>)
      tpu.wait_dma2 semaphore(%run_scoped3A : memref<!tpu.dma_semaphore, #tpu.memory_space<semaphore_mem>>) src(%arg6 : memref<16xi32, #tpu.memory_space<hbm>>) dst(%arg10 : memref<16xi32, #tpu.memory_space<vmem>>)
      tpu.yield
    }) : () -> ()
    %get3A = arith.constant 0 : index
    %get3A_1 = tpu.vector_load %arg10[%get3A] {strides = array<i32>} : memref<16xi32, #tpu.memory_space<vmem>>, vector<16xi32>,
    %get3A_2 = vector.shape_cast %get3A_1 : vector<16xi32> to vector<16xi32>
    %slice3A = vector.extract_strided_slice %get3A_2 {offsets = [0], sizes = [1], strides = [1]} : vector<16xi32> to vector<1xi32>
    %squeeze3A = vector.extract %slice3A[0] : i32 from vector<1xi32>
    %slice3A_3 = vector.extract_strided_slice %get3A_2 {offsets = [1], sizes = [1], strides = [1]} : vector<16xi32> to vector<1xi32>
    %squeeze3A_4 = vector.extract %slice3A_3[0] : i32 from vector<1xi32>
    %add3A_5 = arith.constant 127 : i32
    %add3A_6 = arith.addi %squeeze3A, %add3A_5 : i32
    %jit3A = arith.constant 128 : i32
    %div3A = arith.divsi %add3A_6, %jit3A : i32
    %sign3A = arith.constant 0 : i32
    %sign3A_7 = arith.cmpi sgt, %add3A_6, %sign3A : i32
    %sign3A_8 = arith.extui %sign3A_7 : i1 to i32
    %sign3A_9 = arith.constant 0 : i32
    %sign3A_10 = arith.cmpi slt, %add3A_6, %sign3A_9 : i32
    %sign3A_11 = arith.extui %sign3A_10 : i1 to i32
    %sign3A_12 = arith.subi %sign3A_8, %sign3A_11 : i32
    %sign3A_13 = arith.constant 0 : i32
    %sign3A_14 = arith.cmpi sgt, %jit3A, %sign3A_13 : i32
    %sign3A_15 = arith.extui %sign3A_14 : i1 to i32
    %sign3A_16 = arith.constant 0 : i32
    %sign3A_17 = arith.cmpi slt, %jit3A, %sign3A_16 : i32
    %sign3A_18 = arith.extui %sign3A_17 : i1 to i32
    %sign3A_19 = arith.subi %sign3A_15, %sign3A_18 : i32
    %ne3A = arith.cmpi ne, %sign3A_12, %sign3A_19 : i32
    %rem3A = arith.remsi %add3A_6, %jit3A : i32
    %ne3A_20 = arith.constant 0 : i32
    %ne3A_21 = arith.cmpi ne, %rem3A, %ne3A_20 : i32
    %and3A = arith.andi %ne3A, %ne3A_21 : i1
    %sub3A = arith.constant 1 : i32
    %sub3A_22 = arith.subi %div3A, %sub3A : i32
    %select_n3A = arith.select %and3A, %sub3A_22, %div3A : i32
    %mul3A_23 = arith.muli %add3A, %squeeze3A : i32
    %while3A = arith.constant 0 : i32
    %while3A_24 = arith.constant 0 : i32
    %while3A_25 = arith.subi %select_n3A, %while3A_24 : i32
    %while3A_26 = arith.addi %while3A_24, %while3A_25 : i32
    %while3A_27 = arith.constant 1 : i32
    %while3A_28 = arith.divsi %while3A_25, %while3A_27 : i32
    %while3A_29 = arith.muli %while3A_28, %while3A_27 : i32
    %while3A_30 = arith.addi %while3A_24, %while3A_29 : i32
    %while3A_31 = arith.constant 1 : i32
    scf.for %while3A_70 = %while3A_24 to %while3A_30 step %while3A_31  : i32 {
      %mul3A_71 = arith.constant 128 : i32
      %mul3A_72 = arith.muli %while3A_70, %mul3A_71 : i32
      %add3A_73 = arith.addi %mul3A_23, %mul3A_72 : i32
      %multiple_of3A = tpu.assume_multiple %add3A_73, 8 : i32
      "tpu.region"() ({
        %run_scoped3A = tpu.sem_alloc : memref<!tpu.dma_semaphore, #tpu.memory_space<semaphore_mem>>
        %dma_start3A = tpu.memref_slice %arg2[%multiple_of3A] : memref<205312xi32, #tpu.memory_space<hbm>> -> memref<128xi32, #tpu.memory_space<hbm>>
        %dma_start3A_74 = tpu.memref_slice %arg2[%multiple_of3A] : memref<205312xi32, #tpu.memory_space<hbm>> -> memref<128xi32, #tpu.memory_space<hbm>>
        tpu.enqueue_dma source(%dma_start3A_74 : memref<128xi32, #tpu.memory_space<hbm>>) target(%arg11 : memref<128xi32, #tpu.memory_space<vmem>>) target_semaphore(%run_scoped3A : memref<!tpu.dma_semaphore, #tpu.memory_space<semaphore_mem>>)
        %dma_wait3A = tpu.memref_slice %arg2[%multiple_of3A] : memref<205312xi32, #tpu.memory_space<hbm>> -> memref<128xi32, #tpu.memory_space<hbm>>
        %dma_wait3A_75 = tpu.memref_slice %arg2[%multiple_of3A] : memref<205312xi32, #tpu.memory_space<hbm>> -> memref<128xi32, #tpu.memory_space<hbm>>
        tpu.wait_dma2 semaphore(%run_scoped3A : memref<!tpu.dma_semaphore, #tpu.memory_space<semaphore_mem>>) src(%dma_wait3A_75 : memref<128xi32, #tpu.memory_space<hbm>>) dst(%arg11 : memref<128xi32, #tpu.memory_space<vmem>>)
        tpu.yield
      }) : () -> ()
      "tpu.region"() ({
        %run_scoped3A = tpu.sem_alloc : memref<!tpu.dma_semaphore, #tpu.memory_space<semaphore_mem>>
        %dma_start3A = tpu.memref_slice %arg3[%multiple_of3A] : memref<205312xi32, #tpu.memory_space<hbm>> -> memref<128xi32, #tpu.memory_space<hbm>>
        %dma_start3A_74 = tpu.memref_slice %arg3[%multiple_of3A] : memref<205312xi32, #tpu.memory_space<hbm>> -> memref<128xi32, #tpu.memory_space<hbm>>
        tpu.enqueue_dma source(%dma_start3A_74 : memref<128xi32, #tpu.memory_space<hbm>>) target(%arg12 : memref<128xi32, #tpu.memory_space<vmem>>) target_semaphore(%run_scoped3A : memref<!tpu.dma_semaphore, #tpu.memory_space<semaphore_mem>>)
        %dma_wait3A = tpu.memref_slice %arg3[%multiple_of3A] : memref<205312xi32, #tpu.memory_space<hbm>> -> memref<128xi32, #tpu.memory_space<hbm>>
        %dma_wait3A_75 = tpu.memref_slice %arg3[%multiple_of3A] : memref<205312xi32, #tpu.memory_space<hbm>> -> memref<128xi32, #tpu.memory_space<hbm>>
        tpu.wait_dma2 semaphore(%run_scoped3A : memref<!tpu.dma_semaphore, #tpu.memory_space<semaphore_mem>>) src(%dma_wait3A_75 : memref<128xi32, #tpu.memory_space<hbm>>) dst(%arg12 : memref<128xi32, #tpu.memory_space<vmem>>)
        tpu.yield
      }) : () -> ()
      "tpu.region"() ({
        %run_scoped3A = tpu.sem_alloc : memref<!tpu.dma_semaphore, #tpu.memory_space<semaphore_mem>>
        %dma_start3A = arith.constant 0 : i32
        %dma_start3A_74 = arith.constant 0 : i32
        %dma_start3A_75 = tpu.memref_slice %arg7[%dma_start3A, %dma_start3A_74] : memref<1000000x64xf32, #tpu.memory_space<hbm>> -> memref<1000000x64xf32, #tpu.memory_space<hbm>>
        tpu.enqueue_indirect_dma source(%dma_start3A_75 : memref<1000000x64xf32, #tpu.memory_space<hbm>>) target(%arg13 : memref<128x64xf32, #tpu.memory_space<vmem>>) offsets(%arg11 : memref<128xi32, #tpu.memory_space<vmem>>) semaphore(%run_scoped3A : memref<!tpu.dma_semaphore, #tpu.memory_space<semaphore_mem>>)
        %dma_wait3A = arith.constant 0 : i32
        %dma_wait3A_76 = arith.constant 0 : i32
        %dma_wait3A_77 = tpu.memref_slice %arg7[%dma_wait3A, %dma_wait3A_76] : memref<1000000x64xf32, #tpu.memory_space<hbm>> -> memref<1000000x64xf32, #tpu.memory_space<hbm>>
        tpu.wait_indirect_dma semaphore(%run_scoped3A : memref<!tpu.dma_semaphore, #tpu.memory_space<semaphore_mem>>) src(%dma_wait3A_77 : memref<1000000x64xf32, #tpu.memory_space<hbm>>) dst(%arg13 : memref<128x64xf32, #tpu.memory_space<vmem>>)
        tpu.yield
      }) : () -> ()
      "tpu.region"() ({
        %run_scoped3A = tpu.sem_alloc : memref<!tpu.dma_semaphore, #tpu.memory_space<semaphore_mem>>
        %dma_start3A = arith.constant 0 : i32
        %dma_start3A_74 = arith.constant 0 : i32
        %dma_start3A_75 = tpu.memref_slice %arg9[%dma_start3A, %dma_start3A_74] : memref<206848x64xf32, #tpu.memory_space<hbm>> -> memref<206848x64xf32, #tpu.memory_space<hbm>>
        tpu.enqueue_indirect_dma source(%arg13 : memref<128x64xf32, #tpu.memory_space<vmem>>) target(%dma_start3A_75 : memref<206848x64xf32, #tpu.memory_space<hbm>>) offsets(%arg12 : memref<128xi32, #tpu.memory_space<vmem>>) semaphore(%run_scoped3A : memref<!tpu.dma_semaphore, #tpu.memory_space<semaphore_mem>>)
        %dma_wait3A = arith.constant 0 : i32
        %dma_wait3A_76 = arith.constant 0 : i32
        %dma_wait3A_77 = tpu.memref_slice %arg9[%dma_wait3A, %dma_wait3A_76] : memref<206848x64xf32, #tpu.memory_space<hbm>> -> memref<206848x64xf32, #tpu.memory_space<hbm>>
        tpu.wait_indirect_dma semaphore(%run_scoped3A : memref<!tpu.dma_semaphore, #tpu.memory_space<semaphore_mem>>) src(%arg13 : memref<128x64xf32, #tpu.memory_space<vmem>>) dst(%dma_wait3A_77 : memref<206848x64xf32, #tpu.memory_space<hbm>>)
        tpu.yield
      }) : () -> ()
    }
    %while3A_32 = arith.constant 1 : i32
    scf.for %while3A_70 = %while3A_30 to %while3A_26 step %while3A_32  : i32 {
      %mul3A_71 = arith.constant 128 : i32
      %mul3A_72 = arith.muli %while3A_70, %mul3A_71 : i32
      %add3A_73 = arith.addi %mul3A_23, %mul3A_72 : i32
      %multiple_of3A = tpu.assume_multiple %add3A_73, 8 : i32
      "tpu.region"() ({
        %run_scoped3A = tpu.sem_alloc : memref<!tpu.dma_semaphore, #tpu.memory_space<semaphore_mem>>
        %dma_start3A = tpu.memref_slice %arg2[%multiple_of3A] : memref<205312xi32, #tpu.memory_space<hbm>> -> memref<128xi32, #tpu.memory_space<hbm>>
        %dma_start3A_74 = tpu.memref_slice %arg2[%multiple_of3A] : memref<205312xi32, #tpu.memory_space<hbm>> -> memref<128xi32, #tpu.memory_space<hbm>>
        tpu.enqueue_dma source(%dma_start3A_74 : memref<128xi32, #tpu.memory_space<hbm>>) target(%arg11 : memref<128xi32, #tpu.memory_space<vmem>>) target_semaphore(%run_scoped3A : memref<!tpu.dma_semaphore, #tpu.memory_space<semaphore_mem>>)
        %dma_wait3A = tpu.memref_slice %arg2[%multiple_of3A] : memref<205312xi32, #tpu.memory_space<hbm>> -> memref<128xi32, #tpu.memory_space<hbm>>
        %dma_wait3A_75 = tpu.memref_slice %arg2[%multiple_of3A] : memref<205312xi32, #tpu.memory_space<hbm>> -> memref<128xi32, #tpu.memory_space<hbm>>
        tpu.wait_dma2 semaphore(%run_scoped3A : memref<!tpu.dma_semaphore, #tpu.memory_space<semaphore_mem>>) src(%dma_wait3A_75 : memref<128xi32, #tpu.memory_space<hbm>>) dst(%arg11 : memref<128xi32, #tpu.memory_space<vmem>>)
        tpu.yield
      }) : () -> ()
      "tpu.region"() ({
        %run_scoped3A = tpu.sem_alloc : memref<!tpu.dma_semaphore, #tpu.memory_space<semaphore_mem>>
        %dma_start3A = tpu.memref_slice %arg3[%multiple_of3A] : memref<205312xi32, #tpu.memory_space<hbm>> -> memref<128xi32, #tpu.memory_space<hbm>>
        %dma_start3A_74 = tpu.memref_slice %arg3[%multiple_of3A] : memref<205312xi32, #tpu.memory_space<hbm>> -> memref<128xi32, #tpu.memory_space<hbm>>
        tpu.enqueue_dma source(%dma_start3A_74 : memref<128xi32, #tpu.memory_space<hbm>>) target(%arg12 : memref<128xi32, #tpu.memory_space<vmem>>) target_semaphore(%run_scoped3A : memref<!tpu.dma_semaphore, #tpu.memory_space<semaphore_mem>>)
        %dma_wait3A = tpu.memref_slice %arg3[%multiple_of3A] : memref<205312xi32, #tpu.memory_space<hbm>> -> memref<128xi32, #tpu.memory_space<hbm>>
        %dma_wait3A_75 = tpu.memref_slice %arg3[%multiple_of3A] : memref<205312xi32, #tpu.memory_space<hbm>> -> memref<128xi32, #tpu.memory_space<hbm>>
        tpu.wait_dma2 semaphore(%run_scoped3A : memref<!tpu.dma_semaphore, #tpu.memory_space<semaphore_mem>>) src(%dma_wait3A_75 : memref<128xi32, #tpu.memory_space<hbm>>) dst(%arg12 : memref<128xi32, #tpu.memory_space<vmem>>)
        tpu.yield
      }) : () -> ()
      "tpu.region"() ({
        %run_scoped3A = tpu.sem_alloc : memref<!tpu.dma_semaphore, #tpu.memory_space<semaphore_mem>>
        %dma_start3A = arith.constant 0 : i32
        %dma_start3A_74 = arith.constant 0 : i32
        %dma_start3A_75 = tpu.memref_slice %arg7[%dma_start3A, %dma_start3A_74] : memref<1000000x64xf32, #tpu.memory_space<hbm>> -> memref<1000000x64xf32, #tpu.memory_space<hbm>>
        tpu.enqueue_indirect_dma source(%dma_start3A_75 : memref<1000000x64xf32, #tpu.memory_space<hbm>>) target(%arg13 : memref<128x64xf32, #tpu.memory_space<vmem>>) offsets(%arg11 : memref<128xi32, #tpu.memory_space<vmem>>) semaphore(%run_scoped3A : memref<!tpu.dma_semaphore, #tpu.memory_space<semaphore_mem>>)
        %dma_wait3A = arith.constant 0 : i32
        %dma_wait3A_76 = arith.constant 0 : i32
        %dma_wait3A_77 = tpu.memref_slice %arg7[%dma_wait3A, %dma_wait3A_76] : memref<1000000x64xf32, #tpu.memory_space<hbm>> -> memref<1000000x64xf32, #tpu.memory_space<hbm>>
        tpu.wait_indirect_dma semaphore(%run_scoped3A : memref<!tpu.dma_semaphore, #tpu.memory_space<semaphore_mem>>) src(%dma_wait3A_77 : memref<1000000x64xf32, #tpu.memory_space<hbm>>) dst(%arg13 : memref<128x64xf32, #tpu.memory_space<vmem>>)
        tpu.yield
      }) : () -> ()
      "tpu.region"() ({
        %run_scoped3A = tpu.sem_alloc : memref<!tpu.dma_semaphore, #tpu.memory_space<semaphore_mem>>
        %dma_start3A = arith.constant 0 : i32
        %dma_start3A_74 = arith.constant 0 : i32
        %dma_start3A_75 = tpu.memref_slice %arg9[%dma_start3A, %dma_start3A_74] : memref<206848x64xf32, #tpu.memory_space<hbm>> -> memref<206848x64xf32, #tpu.memory_space<hbm>>
        tpu.enqueue_indirect_dma source(%arg13 : memref<128x64xf32, #tpu.memory_space<vmem>>) target(%dma_start3A_75 : memref<206848x64xf32, #tpu.memory_space<hbm>>) offsets(%arg12 : memref<128xi32, #tpu.memory_space<vmem>>) semaphore(%run_scoped3A : memref<!tpu.dma_semaphore, #tpu.memory_space<semaphore_mem>>)
        %dma_wait3A = arith.constant 0 : i32
        %dma_wait3A_76 = arith.constant 0 : i32
        %dma_wait3A_77 = tpu.memref_slice %arg9[%dma_wait3A, %dma_wait3A_76] : memref<206848x64xf32, #tpu.memory_space<hbm>> -> memref<206848x64xf32, #tpu.memory_space<hbm>>
        tpu.wait_indirect_dma semaphore(%run_scoped3A : memref<!tpu.dma_semaphore, #tpu.memory_space<semaphore_mem>>) src(%arg13 : memref<128x64xf32, #tpu.memory_space<vmem>>) dst(%dma_wait3A_77 : memref<206848x64xf32, #tpu.memory_space<hbm>>)
        tpu.yield
      }) : () -> ()
    }
    %add3A_33 = arith.constant 127 : i32
    %add3A_34 = arith.addi %squeeze3A_4, %add3A_33 : i32
    %jit3A_35 = arith.constant 128 : i32
    %div3A_36 = arith.divsi %add3A_34, %jit3A_35 : i32
    %sign3A_37 = arith.constant 0 : i32
    %sign3A_38 = arith.cmpi sgt, %add3A_34, %sign3A_37 : i32
    %sign3A_39 = arith.extui %sign3A_38 : i1 to i32
    %sign3A_40 = arith.constant 0 : i32
    %sign3A_41 = arith.cmpi slt, %add3A_34, %sign3A_40 : i32
    %sign3A_42 = arith.extui %sign3A_41 : i1 to i32
    %sign3A_43 = arith.subi %sign3A_39, %sign3A_42 : i32
    %sign3A_44 = arith.constant 0 : i32
    %sign3A_45 = arith.cmpi sgt, %jit3A_35, %sign3A_44 : i32
    %sign3A_46 = arith.extui %sign3A_45 : i1 to i32
    %sign3A_47 = arith.constant 0 : i32
    %sign3A_48 = arith.cmpi slt, %jit3A_35, %sign3A_47 : i32
    %sign3A_49 = arith.extui %sign3A_48 : i1 to i32
    %sign3A_50 = arith.subi %sign3A_46, %sign3A_49 : i32
    %ne3A_51 = arith.cmpi ne, %sign3A_43, %sign3A_50 : i32
    %rem3A_52 = arith.remsi %add3A_34, %jit3A_35 : i32
    %ne3A_53 = arith.constant 0 : i32
    %ne3A_54 = arith.cmpi ne, %rem3A_52, %ne3A_53 : i32
    %and3A_55 = arith.andi %ne3A_51, %ne3A_54 : i1
    %sub3A_56 = arith.constant 1 : i32
    %sub3A_57 = arith.subi %div3A_36, %sub3A_56 : i32
    %select_n3A_58 = arith.select %and3A_55, %sub3A_57, %div3A_36 : i32
    %mul3A_59 = arith.muli %add3A, %squeeze3A_4 : i32
    %while3A_60 = arith.constant 0 : i32
    %while3A_61 = arith.constant 0 : i32
    %while3A_62 = arith.subi %select_n3A_58, %while3A_61 : i32
    %while3A_63 = arith.addi %while3A_61, %while3A_62 : i32
    %while3A_64 = arith.constant 1 : i32
    %while3A_65 = arith.divsi %while3A_62, %while3A_64 : i32
    %while3A_66 = arith.muli %while3A_65, %while3A_64 : i32
    %while3A_67 = arith.addi %while3A_61, %while3A_66 : i32
    %while3A_68 = arith.constant 1 : i32
    scf.for %while3A_70 = %while3A_61 to %while3A_67 step %while3A_68  : i32 {
      %mul3A_71 = arith.constant 128 : i32
      %mul3A_72 = arith.muli %while3A_70, %mul3A_71 : i32
      %add3A_73 = arith.addi %mul3A_59, %mul3A_72 : i32
      %multiple_of3A = tpu.assume_multiple %add3A_73, 8 : i32
      "tpu.region"() ({
        %run_scoped3A = tpu.sem_alloc : memref<!tpu.dma_semaphore, #tpu.memory_space<semaphore_mem>>
        %dma_start3A = tpu.memref_slice %arg4[%multiple_of3A] : memref<205312xi32, #tpu.memory_space<hbm>> -> memref<128xi32, #tpu.memory_space<hbm>>
        %dma_start3A_74 = tpu.memref_slice %arg4[%multiple_of3A] : memref<205312xi32, #tpu.memory_space<hbm>> -> memref<128xi32, #tpu.memory_space<hbm>>
        tpu.enqueue_dma source(%dma_start3A_74 : memref<128xi32, #tpu.memory_space<hbm>>) target(%arg11 : memref<128xi32, #tpu.memory_space<vmem>>) target_semaphore(%run_scoped3A : memref<!tpu.dma_semaphore, #tpu.memory_space<semaphore_mem>>)
        %dma_wait3A = tpu.memref_slice %arg4[%multiple_of3A] : memref<205312xi32, #tpu.memory_space<hbm>> -> memref<128xi32, #tpu.memory_space<hbm>>
        %dma_wait3A_75 = tpu.memref_slice %arg4[%multiple_of3A] : memref<205312xi32, #tpu.memory_space<hbm>> -> memref<128xi32, #tpu.memory_space<hbm>>
        tpu.wait_dma2 semaphore(%run_scoped3A : memref<!tpu.dma_semaphore, #tpu.memory_space<semaphore_mem>>) src(%dma_wait3A_75 : memref<128xi32, #tpu.memory_space<hbm>>) dst(%arg11 : memref<128xi32, #tpu.memory_space<vmem>>)
        tpu.yield
      }) : () -> ()
      "tpu.region"() ({
        %run_scoped3A = tpu.sem_alloc : memref<!tpu.dma_semaphore, #tpu.memory_space<semaphore_mem>>
        %dma_start3A = tpu.memref_slice %arg5[%multiple_of3A] : memref<205312xi32, #tpu.memory_space<hbm>> -> memref<128xi32, #tpu.memory_space<hbm>>
        %dma_start3A_74 = tpu.memref_slice %arg5[%multiple_of3A] : memref<205312xi32, #tpu.memory_space<hbm>> -> memref<128xi32, #tpu.memory_space<hbm>>
        tpu.enqueue_dma source(%dma_start3A_74 : memref<128xi32, #tpu.memory_space<hbm>>) target(%arg12 : memref<128xi32, #tpu.memory_space<vmem>>) target_semaphore(%run_scoped3A : memref<!tpu.dma_semaphore, #tpu.memory_space<semaphore_mem>>)
        %dma_wait3A = tpu.memref_slice %arg5[%multiple_of3A] : memref<205312xi32, #tpu.memory_space<hbm>> -> memref<128xi32, #tpu.memory_space<hbm>>
        %dma_wait3A_75 = tpu.memref_slice %arg5[%multiple_of3A] : memref<205312xi32, #tpu.memory_space<hbm>> -> memref<128xi32, #tpu.memory_space<hbm>>
        tpu.wait_dma2 semaphore(%run_scoped3A : memref<!tpu.dma_semaphore, #tpu.memory_space<semaphore_mem>>) src(%dma_wait3A_75 : memref<128xi32, #tpu.memory_space<hbm>>) dst(%arg12 : memref<128xi32, #tpu.memory_space<vmem>>)
        tpu.yield
      }) : () -> ()
      "tpu.region"() ({
        %run_scoped3A = tpu.sem_alloc : memref<!tpu.dma_semaphore, #tpu.memory_space<semaphore_mem>>
        %dma_start3A = arith.constant 0 : i32
        %dma_start3A_74 = arith.constant 0 : i32
        %dma_start3A_75 = tpu.memref_slice %arg8[%dma_start3A, %dma_start3A_74] : memref<100000x64xf32, #tpu.memory_space<hbm>> -> memref<100000x64xf32, #tpu.memory_space<hbm>>
        tpu.enqueue_indirect_dma source(%dma_start3A_75 : memref<100000x64xf32, #tpu.memory_space<hbm>>) target(%arg13 : memref<128x64xf32, #tpu.memory_space<vmem>>) offsets(%arg11 : memref<128xi32, #tpu.memory_space<vmem>>) semaphore(%run_scoped3A : memref<!tpu.dma_semaphore, #tpu.memory_space<semaphore_mem>>)
        %dma_wait3A = arith.constant 0 : i32
        %dma_wait3A_76 = arith.constant 0 : i32
        %dma_wait3A_77 = tpu.memref_slice %arg8[%dma_wait3A, %dma_wait3A_76] : memref<100000x64xf32, #tpu.memory_space<hbm>> -> memref<100000x64xf32, #tpu.memory_space<hbm>>
        tpu.wait_indirect_dma semaphore(%run_scoped3A : memref<!tpu.dma_semaphore, #tpu.memory_space<semaphore_mem>>) src(%dma_wait3A_77 : memref<100000x64xf32, #tpu.memory_space<hbm>>) dst(%arg13 : memref<128x64xf32, #tpu.memory_space<vmem>>)
        tpu.yield
      }) : () -> ()
      "tpu.region"() ({
        %run_scoped3A = tpu.sem_alloc : memref<!tpu.dma_semaphore, #tpu.memory_space<semaphore_mem>>
        %dma_start3A = arith.constant 0 : i32
        %dma_start3A_74 = arith.constant 0 : i32
        %dma_start3A_75 = tpu.memref_slice %arg9[%dma_start3A, %dma_start3A_74] : memref<206848x64xf32, #tpu.memory_space<hbm>> -> memref<206848x64xf32, #tpu.memory_space<hbm>>
        tpu.enqueue_indirect_dma source(%arg13 : memref<128x64xf32, #tpu.memory_space<vmem>>) target(%dma_start3A_75 : memref<206848x64xf32, #tpu.memory_space<hbm>>) offsets(%arg12 : memref<128xi32, #tpu.memory_space<vmem>>) semaphore(%run_scoped3A : memref<!tpu.dma_semaphore, #tpu.memory_space<semaphore_mem>>)
        %dma_wait3A = arith.constant 0 : i32
        %dma_wait3A_76 = arith.constant 0 : i32
        %dma_wait3A_77 = tpu.memref_slice %arg9[%dma_wait3A, %dma_wait3A_76] : memref<206848x64xf32, #tpu.memory_space<hbm>> -> memref<206848x64xf32, #tpu.memory_space<hbm>>
        tpu.wait_indirect_dma semaphore(%run_scoped3A : memref<!tpu.dma_semaphore, #tpu.memory_space<semaphore_mem>>) src(%arg13 : memref<128x64xf32, #tpu.memory_space<vmem>>) dst(%dma_wait3A_77 : memref<206848x64xf32, #tpu.memory_space<hbm>>)
        tpu.yield
      }) : () -> ()
    }
    %while3A_69 = arith.constant 1 : i32
    scf.for %while3A_70 = %while3A_67 to %while3A_63 step %while3A_69  : i32 {
      %mul3A_71 = arith.constant 128 : i32
      %mul3A_72 = arith.muli %while3A_70, %mul3A_71 : i32
      %add3A_73 = arith.addi %mul3A_59, %mul3A_72 : i32
      %multiple_of3A = tpu.assume_multiple %add3A_73, 8 : i32
      "tpu.region"() ({
        %run_scoped3A = tpu.sem_alloc : memref<!tpu.dma_semaphore, #tpu.memory_space<semaphore_mem>>
        %dma_start3A = tpu.memref_slice %arg4[%multiple_of3A] : memref<205312xi32, #tpu.memory_space<hbm>> -> memref<128xi32, #tpu.memory_space<hbm>>
        %dma_start3A_74 = tpu.memref_slice %arg4[%multiple_of3A] : memref<205312xi32, #tpu.memory_space<hbm>> -> memref<128xi32, #tpu.memory_space<hbm>>
        tpu.enqueue_dma source(%dma_start3A_74 : memref<128xi32, #tpu.memory_space<hbm>>) target(%arg11 : memref<128xi32, #tpu.memory_space<vmem>>) target_semaphore(%run_scoped3A : memref<!tpu.dma_semaphore, #tpu.memory_space<semaphore_mem>>)
        %dma_wait3A = tpu.memref_slice %arg4[%multiple_of3A] : memref<205312xi32, #tpu.memory_space<hbm>> -> memref<128xi32, #tpu.memory_space<hbm>>
        %dma_wait3A_75 = tpu.memref_slice %arg4[%multiple_of3A] : memref<205312xi32, #tpu.memory_space<hbm>> -> memref<128xi32, #tpu.memory_space<hbm>>
        tpu.wait_dma2 semaphore(%run_scoped3A : memref<!tpu.dma_semaphore, #tpu.memory_space<semaphore_mem>>) src(%dma_wait3A_75 : memref<128xi32, #tpu.memory_space<hbm>>) dst(%arg11 : memref<128xi32, #tpu.memory_space<vmem>>)
        tpu.yield
      }) : () -> ()
      "tpu.region"() ({
        %run_scoped3A = tpu.sem_alloc : memref<!tpu.dma_semaphore, #tpu.memory_space<semaphore_mem>>
        %dma_start3A = tpu.memref_slice %arg5[%multiple_of3A] : memref<205312xi32, #tpu.memory_space<hbm>> -> memref<128xi32, #tpu.memory_space<hbm>>
        %dma_start3A_74 = tpu.memref_slice %arg5[%multiple_of3A] : memref<205312xi32, #tpu.memory_space<hbm>> -> memref<128xi32, #tpu.memory_space<hbm>>
        tpu.enqueue_dma source(%dma_start3A_74 : memref<128xi32, #tpu.memory_space<hbm>>) target(%arg12 : memref<128xi32, #tpu.memory_space<vmem>>) target_semaphore(%run_scoped3A : memref<!tpu.dma_semaphore, #tpu.memory_space<semaphore_mem>>)
        %dma_wait3A = tpu.memref_slice %arg5[%multiple_of3A] : memref<205312xi32, #tpu.memory_space<hbm>> -> memref<128xi32, #tpu.memory_space<hbm>>
        %dma_wait3A_75 = tpu.memref_slice %arg5[%multiple_of3A] : memref<205312xi32, #tpu.memory_space<hbm>> -> memref<128xi32, #tpu.memory_space<hbm>>
        tpu.wait_dma2 semaphore(%run_scoped3A : memref<!tpu.dma_semaphore, #tpu.memory_space<semaphore_mem>>) src(%dma_wait3A_75 : memref<128xi32, #tpu.memory_space<hbm>>) dst(%arg12 : memref<128xi32, #tpu.memory_space<vmem>>)
        tpu.yield
      }) : () -> ()
      "tpu.region"() ({
        %run_scoped3A = tpu.sem_alloc : memref<!tpu.dma_semaphore, #tpu.memory_space<semaphore_mem>>
        %dma_start3A = arith.constant 0 : i32
        %dma_start3A_74 = arith.constant 0 : i32
        %dma_start3A_75 = tpu.memref_slice %arg8[%dma_start3A, %dma_start3A_74] : memref<100000x64xf32, #tpu.memory_space<hbm>> -> memref<100000x64xf32, #tpu.memory_space<hbm>>
        tpu.enqueue_indirect_dma source(%dma_start3A_75 : memref<100000x64xf32, #tpu.memory_space<hbm>>) target(%arg13 : memref<128x64xf32, #tpu.memory_space<vmem>>) offsets(%arg11 : memref<128xi32, #tpu.memory_space<vmem>>) semaphore(%run_scoped3A : memref<!tpu.dma_semaphore, #tpu.memory_space<semaphore_mem>>)
        %dma_wait3A = arith.constant 0 : i32
        %dma_wait3A_76 = arith.constant 0 : i32
        %dma_wait3A_77 = tpu.memref_slice %arg8[%dma_wait3A, %dma_wait3A_76] : memref<100000x64xf32, #tpu.memory_space<hbm>> -> memref<100000x64xf32, #tpu.memory_space<hbm>>
        tpu.wait_indirect_dma semaphore(%run_scoped3A : memref<!tpu.dma_semaphore, #tpu.memory_space<semaphore_mem>>) src(%dma_wait3A_77 : memref<100000x64xf32, #tpu.memory_space<hbm>>) dst(%arg13 : memref<128x64xf32, #tpu.memory_space<vmem>>)
        tpu.yield
      }) : () -> ()
      "tpu.region"() ({
        %run_scoped3A = tpu.sem_alloc : memref<!tpu.dma_semaphore, #tpu.memory_space<semaphore_mem>>
        %dma_start3A = arith.constant 0 : i32
        %dma_start3A_74 = arith.constant 0 : i32
        %dma_start3A_75 = tpu.memref_slice %arg9[%dma_start3A, %dma_start3A_74] : memref<206848x64xf32, #tpu.memory_space<hbm>> -> memref<206848x64xf32, #tpu.memory_space<hbm>>
        tpu.enqueue_indirect_dma source(%arg13 : memref<128x64xf32, #tpu.memory_space<vmem>>) target(%dma_start3A_75 : memref<206848x64xf32, #tpu.memory_space<hbm>>) offsets(%arg12 : memref<128xi32, #tpu.memory_space<vmem>>) semaphore(%run_scoped3A : memref<!tpu.dma_semaphore, #tpu.memory_space<semaphore_mem>>)
        %dma_wait3A = arith.constant 0 : i32
        %dma_wait3A_76 = arith.constant 0 : i32
        %dma_wait3A_77 = tpu.memref_slice %arg9[%dma_wait3A, %dma_wait3A_76] : memref<206848x64xf32, #tpu.memory_space<hbm>> -> memref<206848x64xf32, #tpu.memory_space<hbm>>
        tpu.wait_indirect_dma semaphore(%run_scoped3A : memref<!tpu.dma_semaphore, #tpu.memory_space<semaphore_mem>>) src(%arg13 : memref<128x64xf32, #tpu.memory_space<vmem>>) dst(%dma_wait3A_77 : memref<206848x64xf32, #tpu.memory_space<hbm>>)
        tpu.yield
      }) : () -> ()
    }
    return
  }
}

module attributes {stable_mosaic.version = 14 : i64} {
  func.func @tc_kernel(%arg0: i32, %arg1: memref<1x1x2048xi32, #tpu.memory_space<vmem>>, %arg2: memref<2048x64xf32, #tpu.memory_space<vmem>>, %arg3: memref<16x64xf32, #tpu.memory_space<vmem>>, %arg4: memref<128x64xf32, #tpu.memory_space<vmem>>, %arg5: memref<1x64xf32, #tpu.memory_space<vmem>>, %arg6: memref<2048x64xf32, #tpu.memory_space<vmem>>) attributes {dimension_semantics = [#tpu.dimension_semantics<arbitrary>], iteration_bounds = array<i64: 100>, scalar_prefetch = 0 : i64, scratch_operands = 0 : i64, tpu.core_type = #tpu.core_type<tc>, window_params = [{transform_indices = @transform_0, window_bounds = array<i64: 1, 1, 2048>}, {transform_indices = @transform_1, window_bounds = array<i64: 2048, 64>}, {pipeline_mode = #tpu.pipeline_mode<synchronous>, transform_indices = @transform_2, window_bounds = array<i64: 16, 64>}, {pipeline_mode = #tpu.pipeline_mode<synchronous>, transform_indices = @transform_3, window_bounds = array<i64: 128, 64>}, {pipeline_mode = #tpu.pipeline_mode<synchronous>, transform_indices = @transform_4, window_bounds = array<i64: 1, 64>}, {transform_indices = @transform_5, window_bounds = array<i64: 2048, 64>}]} {
    %get3A = arith.constant 0 : index
    %get3A_0 = arith.constant 0 : index
    %get3A_1 = arith.constant 0 : index
    %get3A_2 = vector.load %arg1[%get3A, %get3A_0, %get3A_1] : memref<1x1x2048xi32, #tpu.memory_space<vmem>>, vector<1x1x2048xi32>
    %get3A_3 = vector.shape_cast %get3A_2 : vector<1x1x2048xi32> to vector<2048xi32>
    %convert_element_type3A = arith.sitofp %get3A_3 : vector<2048xi32> to vector<2048xf32>
    %reshape3A = vector.shape_cast %convert_element_type3A : vector<2048xf32> to vector<2048x1xf32>
    %iota3A = tpu.iota {dimensions = array<i32: 1>} : vector<2048x16xi32>
    %convert_element_type3A_4 = arith.sitofp %iota3A : vector<2048x16xi32> to vector<2048x16xf32>
    %eq3A = vector.broadcast %reshape3A : vector<2048x1xf32> to vector<2048x16xf32>
    %eq3A_5 = arith.cmpf oeq, %eq3A, %convert_element_type3A_4 : vector<2048x16xf32>
    %convert_element_type3A_6 = arith.extui %eq3A_5 : vector<2048x16xi1> to vector<2048x16xi32>
    %convert_element_type3A_7 = arith.sitofp %convert_element_type3A_6 : vector<2048x16xi32> to vector<2048x16xf32>
    %get3A_8 = arith.constant 0 : index
    %get3A_9 = arith.constant 0 : index
    %get3A_10 = vector.load %arg3[%get3A_8, %get3A_9] : memref<16x64xf32, #tpu.memory_space<vmem>>, vector<16x64xf32>
    %get3A_11 = arith.constant 0 : index
    %get3A_12 = arith.constant 0 : index
    %get3A_13 = vector.load %arg4[%get3A_11, %get3A_12] : memref<128x64xf32, #tpu.memory_space<vmem>>, vector<64x64xf32>
    %dot_general3A = arith.constant dense<0.000000e+00> : vector<16x64xf32>
    %dot_general3A_14 = tpu.matmul %get3A_10, %get3A_13, %dot_general3A {dimension_numbers = #tpu.dot_dimension_numbers<[1], [0], [0], [1], [0, 0, 1, 1], [], []>, transpose_lhs_hint = false} : vector<16x64xf32>, vector<64x64xf32>, vector<16x64xf32> -> vector<16x64xf32>
    %dot_general3A_15 = arith.constant dense<0.000000e+00> : vector<2048x64xf32>
    %dot_general3A_16 = tpu.matmul %convert_element_type3A_7, %dot_general3A_14, %dot_general3A_15 {dimension_numbers = #tpu.dot_dimension_numbers<[1], [0], [0], [1], [0, 0, 1, 1], [], []>, transpose_lhs_hint = false} : vector<2048x16xf32>, vector<16x64xf32>, vector<2048x64xf32> -> vector<2048x64xf32>
    %ge3A = arith.constant 4.000000e+00 : f32
    %ge3A_17 = vector.broadcast %ge3A : f32 to vector<2048x1xf32>
    %ge3A_18 = arith.cmpf oge, %reshape3A, %ge3A_17 : vector<2048x1xf32>
    %le3A = arith.constant 7.000000e+00 : f32
    %le3A_19 = vector.broadcast %le3A : f32 to vector<2048x1xf32>
    %le3A_20 = arith.cmpf ole, %reshape3A, %le3A_19 : vector<2048x1xf32>
    %and3A = arith.andi %ge3A_18, %le3A_20 : vector<2048x1xi1>
    %broadcast_in_dim3A = vector.shape_cast %and3A : vector<2048x1xi1> to vector<2048x1xi1>
    %broadcast_in_dim3A_21 = vector.broadcast %broadcast_in_dim3A : vector<2048x1xi1> to vector<2048x64xi1>
    %get3A_22 = arith.constant 0 : index
    %get3A_23 = arith.constant 0 : index
    %get3A_24 = vector.load %arg2[%get3A_22, %get3A_23] : memref<2048x64xf32, #tpu.memory_space<vmem>>, vector<2048x64xf32>
    %jit3A = arith.constant 0.000000e+00 : f32
    %broadcast_in_dim3A_25 = vector.broadcast %jit3A : f32 to vector<2048x64xf32>
    %select_n3A = arith.select %broadcast_in_dim3A_21, %get3A_24, %broadcast_in_dim3A_25 : vector<2048x64xi1>, vector<2048x64xf32>
    %get3A_26 = arith.constant 64 : index
    %get3A_27 = arith.constant 0 : index
    %get3A_28 = vector.load %arg4[%get3A_26, %get3A_27] : memref<128x64xf32, #tpu.memory_space<vmem>>, vector<64x64xf32>
    %dot_general3A_29 = arith.constant dense<0.000000e+00> : vector<2048x64xf32>
    %dot_general3A_30 = tpu.matmul %select_n3A, %get3A_28, %dot_general3A_29 {dimension_numbers = #tpu.dot_dimension_numbers<[1], [0], [0], [1], [0, 0, 1, 1], [], []>, transpose_lhs_hint = false} : vector<2048x64xf32>, vector<64x64xf32>, vector<2048x64xf32> -> vector<2048x64xf32>
    %add3A = arith.addf %dot_general3A_16, %dot_general3A_30 : vector<2048x64xf32>
    %get3A_31 = arith.constant 0 : index
    %get3A_32 = arith.constant 0 : index
    %get3A_33 = vector.load %arg5[%get3A_31, %get3A_32] : memref<1x64xf32, #tpu.memory_space<vmem>>, vector<1x64xf32>
    %get3A_34 = vector.shape_cast %get3A_33 : vector<1x64xf32> to vector<64xf32>
    %broadcast_in_dim3A_35 = vector.shape_cast %get3A_34 : vector<64xf32> to vector<1x64xf32>
    %add3A_36 = vector.broadcast %broadcast_in_dim3A_35 : vector<1x64xf32> to vector<2048x64xf32>
    %add3A_37 = arith.addf %add3A, %add3A_36 : vector<2048x64xf32>
    %max3A = arith.constant 0.000000e+00 : f32
    %max3A_38 = vector.broadcast %max3A : f32 to vector<2048x64xf32>
    %max3A_39 = arith.maximumf %add3A_37, %max3A_38 : vector<2048x64xf32>
    %swap3A = arith.constant 0 : index
    %swap3A_40 = arith.constant 0 : index
    %swap3A_41 = vector.load %arg6[%swap3A, %swap3A_40] : memref<2048x64xf32, #tpu.memory_space<vmem>>, vector<2048x64xf32>
    tpu.vector_store %arg6[%swap3A, %swap3A_40], %max3A_39 {strides = array<i32>} : memref<2048x64xf32, #tpu.memory_space<vmem>>, vector<2048x64xf32>,
    return
  }
  func.func @transform_0(%arg0: i32) -> (i32, i32, i32) {
    %c0_i32 = arith.constant 0 : i32
    %c0_i32_0 = arith.constant 0 : i32
    %c0_i32_1 = arith.constant 0 : i32
    return %arg0, %c0_i32, %c0_i32_0 : i32, i32, i32
  }
  func.func @transform_1(%arg0: i32) -> (i32, i32) {
    %c0_i32 = arith.constant 0 : i32
    %c0_i32_0 = arith.constant 0 : i32
    return %arg0, %c0_i32 : i32, i32
  }
  func.func @transform_2(%arg0: i32) -> (i32, i32) {
    %c0_i32 = arith.constant 0 : i32
    %c0_i32_0 = arith.constant 0 : i32
    %c0_i32_1 = arith.constant 0 : i32
    return %c0_i32, %c0_i32_0 : i32, i32
  }
  func.func @transform_3(%arg0: i32) -> (i32, i32) {
    %c0_i32 = arith.constant 0 : i32
    %c0_i32_0 = arith.constant 0 : i32
    %c0_i32_1 = arith.constant 0 : i32
    return %c0_i32, %c0_i32_0 : i32, i32
  }
  func.func @transform_4(%arg0: i32) -> (i32, i32) {
    %c0_i32 = arith.constant 0 : i32
    %c0_i32_0 = arith.constant 0 : i32
    %c0_i32_1 = arith.constant 0 : i32
    return %c0_i32, %c0_i32_0 : i32, i32
  }
  func.func @transform_5(%arg0: i32) -> (i32, i32) {
    %c0_i32 = arith.constant 0 : i32
    %c0_i32_0 = arith.constant 0 : i32
    return %arg0, %c0_i32 : i32, i32
  }
}

</mosaic_0001>

<sc_bundles>
// kernel: kernel.4.cloned.1.call-start
scs
__scs_entry_jumppad:
0x0: {  	(pc) =	sbr.rel $0x88, $3  }
0x1: {  	(tag) =	ssettag $0x0;
	lr =	simm.s32 $0x1  }
0x2: {  	[smem:$0x3F99] =	sst lr;
	_ =	strace $0xD0000000  }
0x3: {  	_ = 	snop  }
0x4: {  	_ = 	snop  }
0x5: {  	_ = 	snop  }
0x6: {  	_ = 	snop  }
0x7: {  	_ = 	snop  }
__scs_overlays_trampoline_lowered:
0x8: {  	[smem:$0x3FA8] =	sst s0  }
0x9: {  	[smem:$0x3FA9] =	sst s1  }
0xa: {  	[smem:$0x3FAA] =	sst s2  }
0xb: {  	[smem:$0x3FAB] =	sst s3  }
0xc: {  	[smem:$0x3FAC] =	sst s4  }
0xd: {  	[smem:$0x3FAD] =	sst s5  }
0xe: {  	[smem:$0x3FAE] =	sst s6  }
0xf: {  	[smem:$0x3FAF] =	sst s7  }
0x10: {  	[smem:$0x3FB0] =	sst s8  }
0x11: {  	[smem:$0x3FB1] =	sst s9;
	s0 =	simm.s32 @!p0 $0x0  }
0x12: {  	s1 =	sld [smem:$0x3F97];
	s0 =	simm.s32 @p0 $0x1  }
0x13: {  	[smem:$0x3FB2] =	sst s0;
	s0 =	simm.s32 @!p1 $0x0  }
0x14: {  	s2 =	sld [smem:$0x3F96];
	s0 =	simm.s32 @p1 $0x1  }
0x15: {  	[smem:$0x3FB3] =	sst s0;
	s0 =	simm.s32 @!p2 $0x0  }
0x16: {  	s3 =	sld [smem:$0x3FDB];
	s0 =	simm.s32 @p2 $0x1  }
0x17: {  	s4 =	simm.s32 $0x1BF5;
	[smem:$0x3FB5] =	sst s0  }
0x18: {  	s0 =	sld [smem:$0x3F98];
	_ =	swait.ge [sflag:s4], $0x0  }
0x19: {  	s7 =	sld [smem:$0x3F99]  }
0x1a: {  	s8 =	sadd.s32 $0xFFFFE003, lr  }
0x1b: {  	s9 =	sadd.s32 $0xFFFFFEF7, lr;
	s5 =	simm.s32 $0xFFFFFFFF;
	p2 =	slt.u32 s8, $0xFFFFF086  }
0x1c: {  	p1 =	slt.u32 s9, $0xF7A;
	s5 =	simm.s32 @!p2 $0x0  }
0x1d: {  	s5 =	simm.s32 @p1 $0x1;
	p0 =	seq.s32 s7, s2  }
0x1e: {  	s7 =	smul.u32 @!p0 $0xF7A, s2;
	p2 =	seq.s32 @!p0 s5, $0x0  }
0x1f: {  	s9 =	smul.u32 $0xF7A, s1;
	s8 =	simm.s32 @!p0 $0x1BF5;
	p2 =	por !p2, p0  }
0x20: {  	[sflag:s8] =	ssyncset.s32 @!p0 $0xFFFFF086;
	s6 =	sadd.s32 @!p0 s3, s7;
	s7 =	simm.s32 @!p0 $0x108  }
0x21: {  	s3 =	sadd.s32 s3, s9;
	s6 =	sadd.s32 @!p0 $0x88, s6;
	s7 =	simm.s32 @p2 $0x1082  }
0x22: {  	[simem:s7], [sflag:s8] =	dma.local @!p0 [hbm:s6], $0xF7A  }
0x23: {  	s9 =	sor.u32 $0xD0000000, s2;
	s6 =	simm.s32 $0x108;
	_ =	swait.ge @!p0 [sflag:s8], $0x0  }
0x24: {  	s3 =	sadd.s32 $0x88, s3;
	s6 =	simm.s32 @!p1 $0x1082;
	[sflag:s4] =	ssyncset.s32 $0xFFFFF086  }
0x25: {  	[simem:s6], [sflag:s4] =	dma.local [hbm:s3], $0xF7A  }
0x26: {  	[smem:$0x3F99] =	sst s1;
	(tag) =	ssettag s2;
	_ =	strace s9  }
0x27: {  	s1 =	sld [smem:$0x3FA9]  }
0x28: {  	s2 =	sld [smem:$0x3FAA]  }
0x29: {  	s4 =	sld [smem:$0x3FAC]  }
0x2a: {  	p0 =	seq.s32 s5, $0x0;
	s5 =	sld [smem:$0x3FAD]  }
0x2b: {  	s6 =	sld [smem:$0x3FAE]  }
0x2c: {  	s7 =	sld [smem:$0x3FAF]  }
0x2d: {  	s3 =	simm.s32 $0x108;
	s8 =	sld [smem:$0x3FB0]  }
0x2e: {  	s3 =	simm.s32 @!p0 $0x1082;
	s9 =	sld [smem:$0x3FB1]  }
0x2f: {  	lr =	sadd.s32 s0, s3;
	s0 =	sld [smem:$0x3FA8]  }
0x30: {  	s3 =	sld [smem:$0x3FAB]  }
0x31: {  	[smem:$0x3FB4] =	sst s10  }
0x32: {  	s10 =	sld [smem:$0x3FB2];
	_ =	sdelay $0x3  }
0x33: {  	p0 =	seq.s32 s10, $0x1;
	s10 =	sld [smem:$0x3FB4];
	_ =	sdelay $0x3  }
0x34: {  	[smem:$0x3FB4] =	sst s10  }
0x35: {  	s10 =	sld [smem:$0x3FB3];
	_ =	sdelay $0x3  }
0x36: {  	p1 =	seq.s32 s10, $0x1;
	s10 =	sld [smem:$0x3FB4];
	_ =	sdelay $0x3  }
0x37: {  	[smem:$0x3FB4] =	sst s10  }
0x38: {  	s10 =	sld [smem:$0x3FB5]  }
0x39: {  	_ = 	snop;
	(pc) =	sbr.ind lr, $3  }
0x3a: {  	_ = 	snop  }
0x3b: {  	_ = 	snop  }
0x3c: {  	p2 =	seq.s32 s10, $0x1;
	s10 =	sld [smem:$0x3FB4]  }
0x3d: {  	_ =	shalt  }
0x3e: {  	_ =	shalt  }
0x3f: {  	_ =	shalt  }
0x40: {  	_ =	shalt  }
0x41: {  	_ =	shalt  }
0x42: {  	_ =	shalt  }
0x43: {  	_ =	shalt  }
0x44: {  	_ =	shalt  }
0x45: {  	_ =	shalt  }
0x46: {  	_ =	shalt  }
0x47: {  	_ =	shalt  }
0x48: {  	_ =	shalt  }
0x49: {  	_ =	shalt  }
0x4a: {  	_ =	shalt  }
0x4b: {  	_ =	shalt  }
0x4c: {  	_ =	shalt  }
0x4d: {  	_ =	shalt  }
0x4e: {  	_ =	shalt  }
0x4f: {  	_ =	shalt  }
0x50: {  	_ =	shalt  }
0x51: {  	_ =	shalt  }
0x52: {  	_ =	shalt  }
0x53: {  	_ =	shalt  }
0x54: {  	_ =	shalt  }
0x55: {  	_ =	shalt  }
0x56: {  	_ =	shalt  }
0x57: {  	_ =	shalt  }
0x58: {  	_ =	shalt  }
0x59: {  	_ =	shalt  }
0x5a: {  	_ =	shalt  }
0x5b: {  	_ =	shalt  }
0x5c: {  	_ =	shalt  }
0x5d: {  	_ =	shalt  }
0x5e: {  	_ =	shalt  }
0x5f: {  	_ =	shalt  }
0x60: {  	_ =	shalt  }
0x61: {  	_ =	shalt  }
0x62: {  	_ =	shalt  }
0x63: {  	_ =	shalt  }
0x64: {  	_ =	shalt  }
0x65: {  	_ =	shalt  }
0x66: {  	_ =	shalt  }
0x67: {  	_ =	shalt  }
0x68: {  	_ =	shalt  }
0x69: {  	_ =	shalt  }
0x6a: {  	_ =	shalt  }
0x6b: {  	_ =	shalt  }
0x6c: {  	_ =	shalt  }
0x6d: {  	_ =	shalt  }
0x6e: {  	_ =	shalt  }
0x6f: {  	_ =	shalt  }
0x70: {  	_ =	shalt  }
0x71: {  	_ =	shalt  }
0x72: {  	_ =	shalt  }
0x73: {  	_ =	shalt  }
0x74: {  	_ =	shalt  }
0x75: {  	_ =	shalt  }
0x76: {  	_ =	shalt  }
0x77: {  	_ =	shalt  }
0x78: {  	_ =	shalt  }
0x79: {  	_ =	shalt  }
0x7a: {  	_ =	shalt  }
0x7b: {  	_ =	shalt  }
0x7c: {  	_ =	shalt  }
0x7d: {  	_ =	shalt  }
0x7e: {  	_ =	shalt  }
0x7f: {  	_ =	shalt  }
0x80: {  	_ =	shalt  }
0x81: {  	_ =	shalt  }
0x82: {  	_ =	shalt  }
0x83: {  	_ =	shalt  }
0x84: {  	_ =	shalt  }
0x85: {  	_ =	shalt  }
0x86: {  	_ =	shalt  }
0x87: {  	_ =	shalt  }
.Lfunc_end0:
.L_simem_size_0:
called_computation.3_lowered:
.L_overlay_start_0:
0x88: {  	s2 =	sld [smem:$0x3FD9]  }
0x89: {  	s3 =	sld [smem:$0x3FFE];
	_ =	sdelay $0x1  }
0x8a: {  	s1 =	srdreg.scid  }
0x8b: {  	s0 =	sand.u32 $0x1, s1  }
0x8c: {  	s17 =	sshll.u32 s0, $0xA;
	s2 =	sadd.s32 s3, s2  }
0x8d: {  	s2 =	sadd.s32 s2, s17  }
0x8e: {  	[smem:$0x3FC0] =	sst s2  }
0x8f: {  	_ = 	snop  }
0x90: {  	s2 =	sld [smem:$0x3FD0];
	(tm) =	ssettm $0x1  }
0x91: {  	s18 =	sld [smem:$0x3FFB];
	_ =	sdelay $0x3  }
0x92: {  	_ =	strace s18  }
0x93: {  	s3 =	sld [smem:$0x3FFC];
	_ =	sdelay $0x3  }
0x94: {  	_ =	strace s3  }
0x95: {  	s3 =	sld [smem:$0x3FFD];
	_ =	sdelay $0x3  }
0x96: {  	_ =	strace s3  }
0x97: {  	_ =	strace $0x8FFFFFFF  }
0x98: {  	s19 =	sld [smem:$0x3FDB];
	_ =	sdelay $0x1  }
0x99: {  	s4 =	simm.s32 $_scs_section_size  }
0x9a: {  	s5 =	simm.s32 $_size__tile_overlayer_lowered;
	s6 =	simm.s32 $_tile_overlayer_lowered  }
0x9b: {  	s22 =	simm.s32 $0x1BFF;
	s21 =	sshll.u32 s6, $0x1;
	s3 =	sadd.s32 s4, s19  }
0x9c: {  	s7 =	simm.s32 $0x0;
	s20 =	sshll.u32 s5, $0x1;
	s5 =	sadd.s32 s21, s3  }
0x9d: {  	[timem:s7], [sflag:s22] =	dma.local [hbm:s5], s20  }
0x9e: {  	_ =	swait.ge [sflag:s22], s20  }
0x9f: {  	s4 =	ssub.s32 $0x0, s20;
	[sflag:s22] =	ssyncset.done $0x0  }
0xa0: {  	[sflag:s22] =	ssyncadd.s32 s4;
	_ =	sdelay $0x1  }
0xa1: {  	s23 =	simm.s32 $0x1B8B  }
0xa2: {  	_ =	swait.ge [sflag:s23], $0x1  }
0xa3: {  	[sflag:s23] =	ssyncset.done $0x0  }
0xa4: {  	s25 =	simm.s32 $0x1B8E;
	s24 =	sld [smem:$0x3FFE];
	[sflag:s23] =	ssyncadd.s32 $0xFFFFFFFF  }
0xa5: {  	s26 =	simm.s32 $execute0_lowered;
	[smem:$0x3FD2] =	sst s25  }
0xa6: {  	s5 =	sshll.u32 s26, $0x1;
	_ =	strace $0x8000004F;
	[dreg:$0x1] =	wrdreg $0xFFFFFFFF  }
0xa7: {  	s28 =	simm.s32 $_size_execute0_lowered;
	s3 =	sadd.s32 s3, s5;
	[dreg:$0x0] =	wrdreg $0x0  }
0xa8: {  	s5 =	sshll.u32 s28, $0x1;
	[dreg:$0x2] =	wrdreg s3  }
0xa9: {  	[dreg:$0x3] =	wrdreg s5  }
0xaa: {  	[dreg:$0x4] =	wrdreg $0xC0  }
0xab: {  	_ =	task [dreg:s7], $0x5FFFF  }
0xac: {  	[dreg:$0x1] =	wrdreg $0xFFFFFFFF  }
0xad: {  	[dreg:$0x0] =	wrdreg $0x60  }
0xae: {  	[dreg:$0x2] =	wrdreg s24  }
0xaf: {  	[dreg:$0x3] =	wrdreg s2  }
0xb0: {  	[dreg:$0x4] =	wrdreg $0x9  }
0xb1: {  	_ =	task.clear_ibuf [dreg:s7], $0x5FFFF;
	_ =	strace $0x9000004F  }
0xb2: {  	s29 =	simm.s32 $0x9;
	_ =	strace $0x80000051  }
0xb3: {  	_ =	swait.ge [sflag:s29], $0x1  }
0xb4: {  	[sflag:s29] =	ssyncadd.s32 $0xFFFFFFFF  }
0xb5: {  	_ =	strace $0x90000051  }
0xb6: {  	_ =	sfence  }
0xb7: {  	s30 =	sld [smem:$0x0];
	_ =	sdelay $0x2  }
0xb8: {  	s31 =	sshll.u32 s1, $0xD;
	s1 =	sshrl.u32 s1, $0x2  }
0xb9: {  	s3 =	sand.u32 $0x4000, s31;
	s1 =	sadd.s32 s1, s30  }
0xba: {  	s0 =	sor.u32 s3, s0;
	s1 =	sshll.u32 s1, $0x11  }
0xbb: {  	s0 =	sor.u32 s1, s0  }
0xbc: {  	s0 =	sadd.s32 $0x8F2B, s0  }
0xbd: {  	[sflag:s0] =	ssyncadd.remote.s32 $0x1  }
0xbe: {  	_ =	sfence.sel $0xFFFF  }
0xbf: {  	[dreg:$0x0] =	wrdreg $0xFFFFFFFF;
	(pc) =	sbr.abs _section_cstart, $3  }
0xc0: {  	[dreg:$0x1] =	wrdreg $0xFFFFFFFF  }
0xc1: {  	_ =	task.clear_ibuf [dreg:s7], $0x2FFFF;
	_ =	strace $0x9FFFFFFF  }
0xc2: {  	(tm) =	ssettm $0x7FFFFFFF  }
0xc3: {  	_ =	shalt  }
tec
execute0_lowered:
.L_overlay_start_1:
0x0: {  	(tag) =	ssettag $0x1  }
0x1: {  	s10 =	rddreg [dreg:$0x0]  }
0x2: {  	s1 =	rddreg [dreg:$0x1]  }
0x3: {  	s0 =	rddreg [dreg:$0x2];
	s2 =	simm.s32 $0x0;
	s5 =	srdreg.scid  }
0x4: {  	s14 =	simm.s32 $0x10;
	s15 =	simm.s32 $0x90;
	s16 =	simm.s32 $0x80  }
0x5: {  	s17 =	simm.s32 $0x110;
	s18 =	simm.s32 $0x0;
	[smem:$0x7FF] =	sst s2  }
0x6: {  	s3 =	sadd.s32 $0xE9800, s10;
	s4 =	sadd.s32 $0xE3200, s10;
	s12 =	sand.u32 $0x1, s5  }
.Ltmp0:
0x7: {  	s6 =	sadd.s32 $0x19600, s10;
	s7 =	sadd.s32 $0x19400, s10;
	(pc) =	sbr.rel .LBB2_1-.Ltmp0, $4  }
0x8: {  	s8 =	sadd.s32 $0xF62000, s10;
	s5 =	stileid.u32;
	s11 =	ssub.s32 $0x2, s12  }
0x9: {  	s9 =	sadd.s32 $0x1FC00, s10;
	s10 =	sadd.s32 $0xEFE00, s10;
	s13 =	sshrl.u32 s11, $0x1  }
0xa: {  	_ =	strace $0x80000050;
	s31 =	sshll.u32 s5, $0x1;
	s11 =	ssub.s32 s11, s13  }
0xb: {  	s12 =	sor.u32 s12, s31;
	s13 =	simm.s32 $0x1;
	s11 =	smax.u32 s11, $0x1  }
.LBB2_10:
0xc: {  	s19 =	sadd.s32 s4, s21;
	[sflag:s13] =	ssyncadd.s32 @p0 $0xFFFFE000  }
0xd: {  	[tilespmem:s14], [sflag:$0x1] =	stream.linear.gather [hbm4b:s19+s2], $0x80, $0x38;
	[tilespmem:$0x2110] =	vst v63  }
0xe: {  	_ =	swait.ge [sflag:s13], $0x80  }
0xf: {  	[sflag:s13] =	ssyncset.done $0x0  }
0x10: {  	s31 =	sadd.s32 s6, s21;
	[sflag:s13] =	ssyncadd.s32 $0xFFFFFF80  }
0x11: {  	[tilespmem:s15], [sflag:$0x1] =	stream.linear.gather [hbm4b:s31+s2], $0x80, $0x38;
	[tilespmem:$0x2110] =	vst v63  }
0x12: {  	_ =	swait.ge [sflag:s13], $0x80  }
0x13: {  	[sflag:s13] =	ssyncset.done $0x0  }
0x14: {  	[sflag:s13] =	ssyncadd.s32 $0xFFFFFF80  }
0x15: {  	[tilespmem:s17], [sflag:$0x1] =	stream.indirect.gather [hbm4b:s9+s16], $0x40, s14, s16, $0xb8;
	[tilespmem:$0x2110] =	vst v63  }
0x16: {  	_ =	swait.ge [sflag:s13], $0x2000  }
0x17: {  	[sflag:s13] =	ssyncset.done $0x0  }
0x18: {  	[sflag:s13] =	ssyncadd.s32 $0xFFFFE000  }
0x19: {  	[hbm4b:s10+s16] =	stream.indirect.scatter [tilespmem:s17], [sflag:$0x1], $0x40, s15, s16, $0xb8;
	[tilespmem:$0x2110] =	vst v63  }
0x1a: {  	_ =	swait.ge [sflag:s13], $0x2000  }
0x1b: {  	[sflag:s13] =	ssyncset.done $0x0  }
0x1c: {  	[sflag:s13] =	ssyncadd.s32 $0xFFFFE000  }
.LBB2_11:
0x1d: {  	s18 =	sadd.s32 $0x1, s18  }
0x1e: {  	p0 =	sne.s32 s18, s11  }
.Ltmp1:
0x1f: {  	_ = 	snop;
	(pc) =	sbr.rel @!p0 .LBB2_12-.Ltmp1, $1  }
0x20: {  	_ =	sdelay $0x3  }
.LBB2_1:
0x21: {  	[tilespmem:s2], [sflag:$0x1] =	stream.linear.gather [hbm4b:s7+s2], $0x10, $0x38;
	[tilespmem:$0x2110] =	vst v63  }
0x22: {  	_ =	swait.ge [sflag:s13], $0x10  }
0x23: {  	[sflag:s13] =	ssyncset.done $0x0  }
0x24: {  	[sflag:s13] =	ssyncadd.s32 $0xFFFFFFF0  }
0x25: {  	v0 =	vld [tilespmem:$0x0];
	_ =	sdelay $0x4  }
0x26: {  	(v2sf) =	vpush v0, $0x0;
	_ =	sdelay $0xc  }
0x27: {  	(v2sf) =	vpush v0, $0x1;
	_ =	sdelay $0x1  }
0x28: {  	s20 =	spop (v2sf)  }
0x29: {  	s19 =	sadd.s32 $0x7F, s20  }
0x2a: {  	s21 =	sand.u32 $0x7F, s19  }
0x2b: {  	s22 =	sshra.s32 s19, $0x1F;
	p0 =	slt.s32 s19, $0x1;
	p1 =	sne.s32 s21, $0x0  }
0x2c: {  	s31 =	sshrl.u32 s22, $0x19;
	p0 =	por !p0, !p1  }
0x2d: {  	s21 =	simm.s32 $0x1;
	s19 =	sadd.s32 s31, s19;
	p0 =	por !p0, !p0  }
0x2e: {  	s19 =	sshra.s32 s19, $0x7;
	s21 =	simm.s32 @!p0 $0x0  }
0x2f: {  	s22 =	ssub.s32 s19, s21  }
0x30: {  	p0 =	slt.s32 s22, $0x1  }
.Ltmp2:
0x31: {  	_ = 	snop;
	(pc) =	sbr.rel @p0 .LBB2_6-.Ltmp2, $2  }
0x32: {  	_ =	sdelay $0x2  }
0x33: {  	s19 =	spop (v2sf)  }
0x34: {  	p1 =	sne.s32 s22, $0x1  }
.Ltmp3:
0x35: {  	_ = 	snop;
	(pc) =	sbr.rel @!p1 .LBB2_5-.Ltmp3, $3  }
0x36: {  	_ = 	snop  }
0x37: {  	s21 =	smul.u32 s20, s12;
	_ =	sdelay $0x1  }
0x38: {  	s20 =	sadd.s32 $0xFFFFFFFF, s22;
	p0 =	por $0x0, $0x0;
	s22 =	sshrl.u32 s21, $0x3  }
0x39: {  	s23 =	sadd.s32 s3, s22  }
0x3a: {  	[tilespmem:s14], [sflag:$0x1] =	stream.linear.gather [hbm4b:s23+s2], $0x80, $0x38;
	[tilespmem:$0x2110] =	vst v63  }
0x3b: {  	_ =	swait.ge [sflag:s13], $0x80  }
0x3c: {  	[sflag:s13] =	ssyncset.done $0x0  }
0x3d: {  	s31 =	sadd.s32 s1, s22;
	[sflag:s13] =	ssyncadd.s32 $0xFFFFFF80  }
0x3e: {  	[tilespmem:s15], [sflag:$0x1] =	stream.linear.gather [hbm4b:s31+s2], $0x80, $0x38;
	[tilespmem:$0x2110] =	vst v63  }
0x3f: {  	_ =	swait.ge [sflag:s13], $0x80  }
0x40: {  	[sflag:s13] =	ssyncset.done $0x0  }
0x41: {  	[sflag:s13] =	ssyncadd.s32 $0xFFFFFF80  }
0x42: {  	[tilespmem:s17], [sflag:$0x1] =	stream.indirect.gather [hbm4b:s8+s16], $0x40, s14, s16, $0xb8;
	[tilespmem:$0x2110] =	vst v63  }
0x43: {  	p1 =	sne.s32 s20, $0x1;
	_ =	swait.ge [sflag:s13], $0x2000  }
.Ltmp4:
0x44: {  	[sflag:s13] =	ssyncset.done $0x0;
	(pc) =	sbr.rel @!p1 .LBB2_5-.Ltmp4, $4  }
0x45: {  	[sflag:s13] =	ssyncadd.s32 $0xFFFFE000  }
0x46: {  	[hbm4b:s10+s16] =	stream.indirect.scatter [tilespmem:s17], [sflag:$0x1], $0x40, s15, s16, $0xb8;
	[tilespmem:$0x2110] =	vst v63  }
0x47: {  	s20 =	sadd.s32 $0xFFFFFFFF, s20;
	s21 =	sadd.s32 $0x80, s21;
	_ =	swait.ge [sflag:s13], $0x2000  }
0x48: {  	p0 =	por $0x1, $0x1;
	s22 =	sshrl.u32 s21, $0x3;
	[sflag:s13] =	ssyncset.done $0x0  }
.LBB2_4:
0x49: {  	p1 =	sne.s32 s20, $0x1;
	s23 =	sadd.s32 s3, s22;
	[sflag:s13] =	ssyncadd.s32 $0xFFFFE000  }
0x4a: {  	[tilespmem:s14], [sflag:$0x1] =	stream.linear.gather [hbm4b:s23+s2], $0x80, $0x38;
	[tilespmem:$0x2110] =	vst v63  }
0x4b: {  	s20 =	sadd.s32 $0xFFFFFFFF, s20;
	_ =	swait.ge [sflag:s13], $0x80  }
0x4c: {  	[sflag:s13] =	ssyncset.done $0x0  }
0x4d: {  	s22 =	sadd.s32 s1, s22;
	[sflag:s13] =	ssyncadd.s32 $0xFFFFFF80  }
0x4e: {  	[tilespmem:s15], [sflag:$0x1] =	stream.linear.gather [hbm4b:s22+s2], $0x80, $0x38;
	[tilespmem:$0x2110] =	vst v63  }
0x4f: {  	_ =	swait.ge [sflag:s13], $0x80  }
0x50: {  	[sflag:s13] =	ssyncset.done $0x0  }
0x51: {  	[sflag:s13] =	ssyncadd.s32 $0xFFFFFF80  }
0x52: {  	[tilespmem:s17], [sflag:$0x1] =	stream.indirect.gather [hbm4b:s8+s16], $0x40, s14, s16, $0xb8;
	[tilespmem:$0x2110] =	vst v63  }
0x53: {  	_ =	swait.ge [sflag:s13], $0x2000  }
.Ltmp5:
0x54: {  	[sflag:s13] =	ssyncset.done $0x0;
	(pc) =	sbr.rel @p1 .LBB2_4-.Ltmp5, $4  }
0x55: {  	[sflag:s13] =	ssyncadd.s32 $0xFFFFE000  }
0x56: {  	[hbm4b:s10+s16] =	stream.indirect.scatter [tilespmem:s17], [sflag:$0x1], $0x40, s15, s16, $0xb8;
	[tilespmem:$0x2110] =	vst v63  }
0x57: {  	s21 =	sadd.s32 $0x80, s21;
	_ =	swait.ge [sflag:s13], $0x2000  }
0x58: {  	s22 =	sshrl.u32 s21, $0x3;
	[sflag:s13] =	ssyncset.done $0x0  }
.LBB2_5:
0x59: {  	s20 =	sadd.s32 s3, s22;
	[sflag:s13] =	ssyncadd.s32 @p0 $0xFFFFE000  }
0x5a: {  	[tilespmem:s14], [sflag:$0x1] =	stream.linear.gather [hbm4b:s20+s2], $0x80, $0x38;
	[tilespmem:$0x2110] =	vst v63  }
0x5b: {  	_ =	swait.ge [sflag:s13], $0x80  }
0x5c: {  	[sflag:s13] =	ssyncset.done $0x0  }
0x5d: {  	s31 =	sadd.s32 s1, s22;
	[sflag:s13] =	ssyncadd.s32 $0xFFFFFF80  }
0x5e: {  	[tilespmem:s15], [sflag:$0x1] =	stream.linear.gather [hbm4b:s31+s2], $0x80, $0x38;
	[tilespmem:$0x2110] =	vst v63  }
0x5f: {  	_ =	swait.ge [sflag:s13], $0x80  }
0x60: {  	[sflag:s13] =	ssyncset.done $0x0  }
0x61: {  	[sflag:s13] =	ssyncadd.s32 $0xFFFFFF80  }
0x62: {  	[tilespmem:s17], [sflag:$0x1] =	stream.indirect.gather [hbm4b:s8+s16], $0x40, s14, s16, $0xb8;
	[tilespmem:$0x2110] =	vst v63  }
0x63: {  	_ =	swait.ge [sflag:s13], $0x2000  }
0x64: {  	[sflag:s13] =	ssyncset.done $0x0  }
0x65: {  	[sflag:s13] =	ssyncadd.s32 $0xFFFFE000  }
0x66: {  	[hbm4b:s10+s16] =	stream.indirect.scatter [tilespmem:s17], [sflag:$0x1], $0x40, s15, s16, $0xb8;
	[tilespmem:$0x2110] =	vst v63  }
0x67: {  	_ =	swait.ge [sflag:s13], $0x2000  }
0x68: {  	[sflag:s13] =	ssyncset.done $0x0  }
0x69: {  	[sflag:s13] =	ssyncadd.s32 $0xFFFFE000  }
.LBB2_6:
0x6a: {  	s20 =	sadd.s32 $0x7F, s19  }
0x6b: {  	s21 =	sand.u32 $0x7F, s20  }
0x6c: {  	s22 =	sshra.s32 s20, $0x1F;
	p0 =	slt.s32 s20, $0x1;
	p1 =	sne.s32 s21, $0x0  }
0x6d: {  	s31 =	sshrl.u32 s22, $0x19;
	p0 =	por !p0, !p1  }
0x6e: {  	s21 =	simm.s32 $0x1;
	s20 =	sadd.s32 s31, s20;
	p0 =	por !p0, !p0  }
0x6f: {  	s20 =	sshra.s32 s20, $0x7;
	s21 =	simm.s32 @!p0 $0x0  }
0x70: {  	s21 =	ssub.s32 s20, s21  }
0x71: {  	p0 =	slt.s32 s21, $0x1  }
.Ltmp6:
0x72: {  	_ = 	snop;
	(pc) =	sbr.rel @p0 .LBB2_11-.Ltmp6, $1  }
0x73: {  	_ =	sdelay $0x3  }
0x74: {  	p1 =	sne.s32 s21, $0x1  }
.Ltmp7:
0x75: {  	_ = 	snop;
	(pc) =	sbr.rel @!p1 .LBB2_10-.Ltmp7, $3  }
0x76: {  	_ = 	snop  }
0x77: {  	s20 =	smul.u32 s19, s12;
	_ =	sdelay $0x1  }
0x78: {  	s19 =	sadd.s32 $0xFFFFFFFF, s21;
	p0 =	por $0x0, $0x0;
	s21 =	sshrl.u32 s20, $0x3  }
0x79: {  	s22 =	sadd.s32 s4, s21  }
0x7a: {  	[tilespmem:s14], [sflag:$0x1] =	stream.linear.gather [hbm4b:s22+s2], $0x80, $0x38;
	[tilespmem:$0x2110] =	vst v63  }
0x7b: {  	_ =	swait.ge [sflag:s13], $0x80  }
0x7c: {  	[sflag:s13] =	ssyncset.done $0x0  }
0x7d: {  	s31 =	sadd.s32 s6, s21;
	[sflag:s13] =	ssyncadd.s32 $0xFFFFFF80  }
0x7e: {  	[tilespmem:s15], [sflag:$0x1] =	stream.linear.gather [hbm4b:s31+s2], $0x80, $0x38;
	[tilespmem:$0x2110] =	vst v63  }
0x7f: {  	_ =	swait.ge [sflag:s13], $0x80  }
0x80: {  	[sflag:s13] =	ssyncset.done $0x0  }
0x81: {  	[sflag:s13] =	ssyncadd.s32 $0xFFFFFF80  }
0x82: {  	[tilespmem:s17], [sflag:$0x1] =	stream.indirect.gather [hbm4b:s9+s16], $0x40, s14, s16, $0xb8;
	[tilespmem:$0x2110] =	vst v63  }
0x83: {  	p1 =	sne.s32 s19, $0x1;
	_ =	swait.ge [sflag:s13], $0x2000  }
.Ltmp8:
0x84: {  	[sflag:s13] =	ssyncset.done $0x0;
	(pc) =	sbr.rel @!p1 .LBB2_10-.Ltmp8, $4  }
0x85: {  	[sflag:s13] =	ssyncadd.s32 $0xFFFFE000  }
0x86: {  	[hbm4b:s10+s16] =	stream.indirect.scatter [tilespmem:s17], [sflag:$0x1], $0x40, s15, s16, $0xb8;
	[tilespmem:$0x2110] =	vst v63  }
0x87: {  	s19 =	sadd.s32 $0xFFFFFFFF, s19;
	s20 =	sadd.s32 $0x80, s20;
	_ =	swait.ge [sflag:s13], $0x2000  }
0x88: {  	p0 =	por $0x1, $0x1;
	s21 =	sshrl.u32 s20, $0x3;
	[sflag:s13] =	ssyncset.done $0x0  }
.LBB2_9:
0x89: {  	p1 =	sne.s32 s19, $0x1;
	s22 =	sadd.s32 s4, s21;
	[sflag:s13] =	ssyncadd.s32 $0xFFFFE000  }
0x8a: {  	[tilespmem:s14], [sflag:$0x1] =	stream.linear.gather [hbm4b:s22+s2], $0x80, $0x38;
	[tilespmem:$0x2110] =	vst v63  }
0x8b: {  	s19 =	sadd.s32 $0xFFFFFFFF, s19;
	_ =	swait.ge [sflag:s13], $0x80  }
0x8c: {  	[sflag:s13] =	ssyncset.done $0x0  }
0x8d: {  	s21 =	sadd.s32 s6, s21;
	[sflag:s13] =	ssyncadd.s32 $0xFFFFFF80  }
0x8e: {  	[tilespmem:s15], [sflag:$0x1] =	stream.linear.gather [hbm4b:s21+s2], $0x80, $0x38;
	[tilespmem:$0x2110] =	vst v63  }
0x8f: {  	_ =	swait.ge [sflag:s13], $0x80  }
0x90: {  	[sflag:s13] =	ssyncset.done $0x0  }
0x91: {  	[sflag:s13] =	ssyncadd.s32 $0xFFFFFF80  }
0x92: {  	[tilespmem:s17], [sflag:$0x1] =	stream.indirect.gather [hbm4b:s9+s16], $0x40, s14, s16, $0xb8;
	[tilespmem:$0x2110] =	vst v63  }
0x93: {  	_ =	swait.ge [sflag:s13], $0x2000  }
.Ltmp9:
0x94: {  	[sflag:s13] =	ssyncset.done $0x0;
	(pc) =	sbr.rel @p1 .LBB2_9-.Ltmp9, $4  }
0x95: {  	[sflag:s13] =	ssyncadd.s32 $0xFFFFE000  }
0x96: {  	[hbm4b:s10+s16] =	stream.indirect.scatter [tilespmem:s17], [sflag:$0x1], $0x40, s15, s16, $0xb8;
	[tilespmem:$0x2110] =	vst v63  }
0x97: {  	s20 =	sadd.s32 $0x80, s20;
	_ =	swait.ge [sflag:s13], $0x2000  }
0x98: {  	s21 =	sshrl.u32 s20, $0x3;
	[sflag:s13] =	ssyncset.done $0x0  }
.Ltmp10:
0x99: {  	_ = 	snop;
	(pc) =	sbr.rel .LBB2_10-.Ltmp10, $1  }
0x9a: {  	_ =	sdelay $0x3  }
.LBB2_12:
0x9b: {  	_ =	sfence.sel $0x180000  }
0x9c: {  	[bflag:$0x0] =	sbarrier.arrive $0xFFFF  }
0x9d: {  	p0 =	sne.s32 s5, $0x0;
	_ =	strace $0x90000050  }
0x9e: {  	s0 =	sadd.s32 @!p0 $0x100000, s0;
	[bflag:$0x2] =	sbarrier.arrive $0xFFFF  }
0x9f: {  	[sflag:s0] =	ssyncadd.tile.s32 @!p0 $0x1;
	_ =	shalt  }
.Lfunc_end2:
_tile_overlayer_lowered:
.L_overlay_start_2:
0xa0: {  	(tag) =	ssettag $0x2  }
0xa1: {  	s0 =	rddreg [dreg:$0x0];
	s2 =	stileid.u32  }
0xa2: {  	s1 =	rddreg [dreg:$0x1];
	p0 =	sne.s32 s2, $0x0  }
0xa3: {  	s3 =	rddreg [dreg:$0x2];
	[bflag:$0x3] =	sbarrier.arrive $0xFFFF;
	s2 =	simm.s32 @!p0 $0x1C01  }
0xa4: {  	[timem:s3], [sflag:s2] =	dma.local @!p0 [hbm:s0], s1  }
0xa5: {  	s0 =	simm.s32 @!p0 $0x1  }
0xa6: {  	_ =	swait.ge @!p0 [sflag:s0], s1  }
0xa7: {  	s1 =	ssub.s32 @!p0 $0x0, s1;
	[sflag:s0] =	ssyncset.done @!p0 $0x0  }
0xa8: {  	[sflag:s0] =	ssyncadd.s32 @!p0 s1  }
0xa9: {  	[bflag:$0x3] =	sbarrier.arrive $0xFFFF  }
0xaa: {  	_ =	shalt  }

// kernel: scatter_offload_async_start.1
scs
__scs_entry_jumppad:
0x0: {  	(pc) =	sbr.rel $0x88, $3  }
0x1: {  	(tag) =	ssettag $0x0;
	lr =	simm.s32 $0x1  }
0x2: {  	[smem:$0x3F99] =	sst lr;
	_ =	strace $0xD0000000  }
0x3: {  	_ = 	snop  }
0x4: {  	_ = 	snop  }
0x5: {  	_ = 	snop  }
0x6: {  	_ = 	snop  }
0x7: {  	_ = 	snop  }
__scs_overlays_trampoline_lowered:
0x8: {  	[smem:$0x3FA8] =	sst s0  }
0x9: {  	[smem:$0x3FA9] =	sst s1  }
0xa: {  	[smem:$0x3FAA] =	sst s2  }
0xb: {  	[smem:$0x3FAB] =	sst s3  }
0xc: {  	[smem:$0x3FAC] =	sst s4  }
0xd: {  	[smem:$0x3FAD] =	sst s5  }
0xe: {  	[smem:$0x3FAE] =	sst s6  }
0xf: {  	[smem:$0x3FAF] =	sst s7  }
0x10: {  	[smem:$0x3FB0] =	sst s8  }
0x11: {  	[smem:$0x3FB1] =	sst s9;
	s0 =	simm.s32 @!p0 $0x0  }
0x12: {  	s1 =	sld [smem:$0x3F97];
	s0 =	simm.s32 @p0 $0x1  }
0x13: {  	[smem:$0x3FB2] =	sst s0;
	s0 =	simm.s32 @!p1 $0x0  }
0x14: {  	s2 =	sld [smem:$0x3F96];
	s0 =	simm.s32 @p1 $0x1  }
0x15: {  	[smem:$0x3FB3] =	sst s0;
	s0 =	simm.s32 @!p2 $0x0  }
0x16: {  	s3 =	sld [smem:$0x3FDB];
	s0 =	simm.s32 @p2 $0x1  }
0x17: {  	s4 =	simm.s32 $0x1BF5;
	[smem:$0x3FB5] =	sst s0  }
0x18: {  	s0 =	sld [smem:$0x3F98];
	_ =	swait.ge [sflag:s4], $0x0  }
0x19: {  	s7 =	sld [smem:$0x3F99]  }
0x1a: {  	s8 =	sadd.s32 $0xFFFFE003, lr  }
0x1b: {  	s9 =	sadd.s32 $0xFFFFFEF7, lr;
	s5 =	simm.s32 $0xFFFFFFFF;
	p2 =	slt.u32 s8, $0xFFFFF086  }
0x1c: {  	p1 =	slt.u32 s9, $0xF7A;
	s5 =	simm.s32 @!p2 $0x0  }
0x1d: {  	s5 =	simm.s32 @p1 $0x1;
	p0 =	seq.s32 s7, s2  }
0x1e: {  	s7 =	smul.u32 @!p0 $0xF7A, s2;
	p2 =	seq.s32 @!p0 s5, $0x0  }
0x1f: {  	s9 =	smul.u32 $0xF7A, s1;
	s8 =	simm.s32 @!p0 $0x1BF5;
	p2 =	por !p2, p0  }
0x20: {  	[sflag:s8] =	ssyncset.s32 @!p0 $0xFFFFF086;
	s6 =	sadd.s32 @!p0 s3, s7;
	s7 =	simm.s32 @!p0 $0x108  }
0x21: {  	s3 =	sadd.s32 s3, s9;
	s6 =	sadd.s32 @!p0 $0x88, s6;
	s7 =	simm.s32 @p2 $0x1082  }
0x22: {  	[simem:s7], [sflag:s8] =	dma.local @!p0 [hbm:s6], $0xF7A  }
0x23: {  	s9 =	sor.u32 $0xD0000000, s2;
	s6 =	simm.s32 $0x108;
	_ =	swait.ge @!p0 [sflag:s8], $0x0  }
0x24: {  	s3 =	sadd.s32 $0x88, s3;
	s6 =	simm.s32 @!p1 $0x1082;
	[sflag:s4] =	ssyncset.s32 $0xFFFFF086  }
0x25: {  	[simem:s6], [sflag:s4] =	dma.local [hbm:s3], $0xF7A  }
0x26: {  	[smem:$0x3F99] =	sst s1;
	(tag) =	ssettag s2;
	_ =	strace s9  }
0x27: {  	s1 =	sld [smem:$0x3FA9]  }
0x28: {  	s2 =	sld [smem:$0x3FAA]  }
0x29: {  	s4 =	sld [smem:$0x3FAC]  }
0x2a: {  	p0 =	seq.s32 s5, $0x0;
	s5 =	sld [smem:$0x3FAD]  }
0x2b: {  	s6 =	sld [smem:$0x3FAE]  }
0x2c: {  	s7 =	sld [smem:$0x3FAF]  }
0x2d: {  	s3 =	simm.s32 $0x108;
	s8 =	sld [smem:$0x3FB0]  }
0x2e: {  	s3 =	simm.s32 @!p0 $0x1082;
	s9 =	sld [smem:$0x3FB1]  }
0x2f: {  	lr =	sadd.s32 s0, s3;
	s0 =	sld [smem:$0x3FA8]  }
0x30: {  	s3 =	sld [smem:$0x3FAB]  }
0x31: {  	[smem:$0x3FB4] =	sst s10  }
0x32: {  	s10 =	sld [smem:$0x3FB2];
	_ =	sdelay $0x3  }
0x33: {  	p0 =	seq.s32 s10, $0x1;
	s10 =	sld [smem:$0x3FB4];
	_ =	sdelay $0x3  }
0x34: {  	[smem:$0x3FB4] =	sst s10  }
0x35: {  	s10 =	sld [smem:$0x3FB3];
	_ =	sdelay $0x3  }
0x36: {  	p1 =	seq.s32 s10, $0x1;
	s10 =	sld [smem:$0x3FB4];
	_ =	sdelay $0x3  }
0x37: {  	[smem:$0x3FB4] =	sst s10  }
0x38: {  	s10 =	sld [smem:$0x3FB5]  }
0x39: {  	_ = 	snop;
	(pc) =	sbr.ind lr, $3  }
0x3a: {  	_ = 	snop  }
0x3b: {  	_ = 	snop  }
0x3c: {  	p2 =	seq.s32 s10, $0x1;
	s10 =	sld [smem:$0x3FB4]  }
0x3d: {  	_ =	shalt  }
0x3e: {  	_ =	shalt  }
0x3f: {  	_ =	shalt  }
0x40: {  	_ =	shalt  }
0x41: {  	_ =	shalt  }
0x42: {  	_ =	shalt  }
0x43: {  	_ =	shalt  }
0x44: {  	_ =	shalt  }
0x45: {  	_ =	shalt  }
0x46: {  	_ =	shalt  }
0x47: {  	_ =	shalt  }
0x48: {  	_ =	shalt  }
0x49: {  	_ =	shalt  }
0x4a: {  	_ =	shalt  }
0x4b: {  	_ =	shalt  }
0x4c: {  	_ =	shalt  }
0x4d: {  	_ =	shalt  }
0x4e: {  	_ =	shalt  }
0x4f: {  	_ =	shalt  }
0x50: {  	_ =	shalt  }
0x51: {  	_ =	shalt  }
0x52: {  	_ =	shalt  }
0x53: {  	_ =	shalt  }
0x54: {  	_ =	shalt  }
0x55: {  	_ =	shalt  }
0x56: {  	_ =	shalt  }
0x57: {  	_ =	shalt  }
0x58: {  	_ =	shalt  }
0x59: {  	_ =	shalt  }
0x5a: {  	_ =	shalt  }
0x5b: {  	_ =	shalt  }
0x5c: {  	_ =	shalt  }
0x5d: {  	_ =	shalt  }
0x5e: {  	_ =	shalt  }
0x5f: {  	_ =	shalt  }
0x60: {  	_ =	shalt  }
0x61: {  	_ =	shalt  }
0x62: {  	_ =	shalt  }
0x63: {  	_ =	shalt  }
0x64: {  	_ =	shalt  }
0x65: {  	_ =	shalt  }
0x66: {  	_ =	shalt  }
0x67: {  	_ =	shalt  }
0x68: {  	_ =	shalt  }
0x69: {  	_ =	shalt  }
0x6a: {  	_ =	shalt  }
0x6b: {  	_ =	shalt  }
0x6c: {  	_ =	shalt  }
0x6d: {  	_ =	shalt  }
0x6e: {  	_ =	shalt  }
0x6f: {  	_ =	shalt  }
0x70: {  	_ =	shalt  }
0x71: {  	_ =	shalt  }
0x72: {  	_ =	shalt  }
0x73: {  	_ =	shalt  }
0x74: {  	_ =	shalt  }
0x75: {  	_ =	shalt  }
0x76: {  	_ =	shalt  }
0x77: {  	_ =	shalt  }
0x78: {  	_ =	shalt  }
0x79: {  	_ =	shalt  }
0x7a: {  	_ =	shalt  }
0x7b: {  	_ =	shalt  }
0x7c: {  	_ =	shalt  }
0x7d: {  	_ =	shalt  }
0x7e: {  	_ =	shalt  }
0x7f: {  	_ =	shalt  }
0x80: {  	_ =	shalt  }
0x81: {  	_ =	shalt  }
0x82: {  	_ =	shalt  }
0x83: {  	_ =	shalt  }
0x84: {  	_ =	shalt  }
0x85: {  	_ =	shalt  }
0x86: {  	_ =	shalt  }
0x87: {  	_ =	shalt  }
.Lfunc_end0:
.L_simem_size_0:
called_computation.1_lowered:
.L_overlay_start_0:
0x88: {  	s0 =	sld [smem:$0x3FD9]  }
0x89: {  	s1 =	sld [smem:$0x3FFE];
	_ =	sdelay $0x3  }
0x8a: {  	s0 =	sadd.s32 s1, s0  }
0x8b: {  	[smem:$0x3FC0] =	sst s0  }
0x8c: {  	_ = 	snop  }
0x8d: {  	(tm) =	ssettm $0x1  }
0x8e: {  	s15 =	sld [smem:$0x3FFB];
	_ =	sdelay $0x3  }
0x8f: {  	_ =	strace s15  }
0x90: {  	s0 =	sld [smem:$0x3FFC];
	_ =	sdelay $0x3  }
0x91: {  	_ =	strace s0  }
0x92: {  	s0 =	sld [smem:$0x3FFD];
	_ =	sdelay $0x3  }
0x93: {  	_ =	strace s0  }
0x94: {  	_ =	strace $0x8FFFFFFF  }
0x95: {  	s16 =	sld [smem:$0x3FDB];
	_ =	sdelay $0x1  }
0x96: {  	s17 =	simm.s32 $_scs_section_size  }
0x97: {  	s2 =	simm.s32 $_size__tile_overlayer_lowered;
	s3 =	simm.s32 $_tile_overlayer_lowered  }
0x98: {  	s20 =	simm.s32 $0x1BFF;
	s19 =	sshll.u32 s3, $0x1;
	s0 =	sadd.s32 s17, s16  }
0x99: {  	s4 =	simm.s32 $0x0;
	s18 =	sshll.u32 s2, $0x1;
	s2 =	sadd.s32 s19, s0  }
0x9a: {  	[timem:s4], [sflag:s20] =	dma.local [hbm:s2], s18  }
0x9b: {  	_ =	swait.ge [sflag:s20], s18  }
0x9c: {  	s1 =	ssub.s32 $0x0, s18;
	[sflag:s20] =	ssyncset.done $0x0  }
0x9d: {  	[sflag:s20] =	ssyncadd.s32 s1;
	_ =	sdelay $0x1  }
0x9e: {  	s21 =	simm.s32 $0x1B8B  }
0x9f: {  	_ =	swait.ge [sflag:s21], $0x1  }
0xa0: {  	[sflag:s21] =	ssyncset.done $0x0  }
0xa1: {  	s23 =	simm.s32 $0x1B8E;
	s22 =	sld [smem:$0x3FFE];
	[sflag:s21] =	ssyncadd.s32 $0xFFFFFFFF  }
0xa2: {  	s24 =	simm.s32 $execute0_lowered;
	[smem:$0x3FD2] =	sst s23  }
0xa3: {  	s2 =	sshll.u32 s24, $0x1;
	_ =	strace $0x8000004C;
	[dreg:$0x1] =	wrdreg $0xFFFFFFFF  }
0xa4: {  	s25 =	simm.s32 $_size_execute0_lowered;
	s0 =	sadd.s32 s0, s2;
	[dreg:$0x0] =	wrdreg $0x0  }
0xa5: {  	s2 =	sshll.u32 s25, $0x1;
	[dreg:$0x2] =	wrdreg s0  }
0xa6: {  	[dreg:$0x3] =	wrdreg s2  }
0xa7: {  	[dreg:$0x4] =	wrdreg $0xC0  }
0xa8: {  	_ =	task [dreg:s4], $0x5FFFF  }
0xa9: {  	[dreg:$0x1] =	wrdreg $0xFFFFFFFF  }
0xaa: {  	[dreg:$0x0] =	wrdreg $0x60  }
0xab: {  	[dreg:$0x2] =	wrdreg s22  }
0xac: {  	[dreg:$0x3] =	wrdreg $0x9  }
0xad: {  	_ =	task.clear_ibuf [dreg:s4], $0x4FFFF;
	_ =	strace $0x9000004C  }
0xae: {  	s26 =	simm.s32 $0x9;
	_ =	strace $0x8000004E  }
0xaf: {  	_ =	swait.ge [sflag:s26], $0x1  }
0xb0: {  	[sflag:s26] =	ssyncadd.s32 $0xFFFFFFFF  }
0xb1: {  	_ =	strace $0x9000004E  }
0xb2: {  	_ =	sfence  }
0xb3: {  	s28 =	sld [smem:$0x0];
	_ =	sdelay $0x1  }
0xb4: {  	s29 =	srdreg.scid  }
0xb5: {  	s30 =	sshll.u32 s29, $0xD;
	s31 =	sshrl.u32 s29, $0x2  }
0xb6: {  	s1 =	sand.u32 $0x1, s29;
	s2 =	sand.u32 $0x4000, s30;
	s0 =	sadd.s32 s31, s28  }
0xb7: {  	s1 =	sor.u32 s2, s1;
	s0 =	sshll.u32 s0, $0x11  }
0xb8: {  	s0 =	sor.u32 s0, s1  }
0xb9: {  	s0 =	sadd.s32 $0x8F2B, s0  }
0xba: {  	[sflag:s0] =	ssyncadd.remote.s32 $0x1  }
0xbb: {  	_ =	sfence.sel $0xFFFF  }
0xbc: {  	[dreg:$0x0] =	wrdreg $0xFFFFFFFF;
	(pc) =	sbr.abs _section_cstart, $3  }
0xbd: {  	[dreg:$0x1] =	wrdreg $0xFFFFFFFF  }
0xbe: {  	_ =	task.clear_ibuf [dreg:s4], $0x2FFFF;
	_ =	strace $0x9FFFFFFF  }
0xbf: {  	(tm) =	ssettm $0x7FFFFFFF  }
tec
execute0_lowered:
.L_overlay_start_1:
0x0: {  	(tag) =	ssettag $0x1  }
0x1: {  	s7 =	rddreg [dreg:$0x0]  }
0x2: {  	s0 =	rddreg [dreg:$0x1];
	_ =	strace $0x8000004D;
	s2 =	stileid.u32  }
0x3: {  	s4 =	simm.s32 $0x3E;
	s6 =	simm.s32 $0x4000;
	s9 =	simm.s32 $0x0  }
0x4: {  	s11 =	simm.s32 $0x0;
	s1 =	sadd.s32 $0x6400, s7;
	p0 =	sne.s32 s2, $0x0  }
0x5: {  	[sflag:s4] =	ssyncpa.u1 $0x0;
	s3 =	simm.s32 @!p0 $0x1C3E;
	s5 =	simm.s32 @!p0 $0x0  }
0x6: {  	[spmem:s5], [sflag:s3] =	dma.local @!p0 [hbm:s1], $0x6400  }
0x7: {  	s30 =	smin.u32 s2, $0x9;
	p1 =	slt.u32 s2, $0x9;
	s3 =	simm.s32 @!p0 $0x3E  }
0x8: {  	s6 =	simm.s32 @!p1 $0x2000;
	s5 =	sadd.s32 s2, s30;
	_ =	swait.ge @!p0 [sflag:s3], $0x6400  }
0x9: {  	s2 =	sshll.u32 s5, $0xD;
	s5 =	sadd.s32 $0x19800, s7;
	s7 =	sadd.s32 $0xC800, s7  }
0xa: {  	[sflag:s3] =	ssyncset.done @!p0 $0x0;
	s31 =	sadd.s32 s6, s2;
	s6 =	simm.s32 $0x2  }
.Ltmp0:
0xb: {  	[sflag:s3] =	ssyncadd.s32 @!p0 $0xFFFF9C00;
	s3 =	smin.u32 s31, $0x32000;
	(pc) =	sbr.rel .LBB2_1-.Ltmp0, $4  }
0xc: {  	s10 =	smov.u32 s2;
	[bflag:$0x0] =	sbarrier.arrive $0xFFFF;
	s8 =	ssub.s32 s3, s2  }
0xd: {  	[sflag:s4] =	ssyncpa.u1 $0x1;
	s4 =	simm.s32 $0x1;
	p1 =	sgt.s32 s8, $0x0  }
0xe: {  	[sflag:s4] =	ssyncpa.u1 $0x0;
	(ifvalue) =	ssetifvalue $0x32000;
	s8 =	simm.s32 @!p1 $0x0  }
0xf: {  	vm0 =	vmmov $0xffff;
	[sflag:s6] =	ssyncpa.u1 $0x0;
	p1 =	por $0x0, $0x0;
	s8 =	sshrl.u32 s8, $0xD  }
.LBB2_5:
0x10: {  	p3 =	sne.s32 s11, s8  }
.Ltmp1:
0x11: {  	_ = 	snop;
	(pc) =	sbr.rel @!p3 .LBB2_6-.Ltmp1, $4  }
0x12: {  	_ = 	snop  }
0x13: {  	s12 =	sadd.s32 $0x2000, s10  }
0x14: {  	s10 =	smov.u32 s2;
	s13 =	sadd.s32 $0x1, s11;
	p2 =	slt.s32 s12, s3  }
0x15: {  	p1 =	por !p1, !p1;
	s11 =	smov.u32 s13;
	s10 =	smov.u32 @p2 s12  }
.LBB2_1:
0x16: {  	p2 =	sge.u32 s11, s8  }
0x17: {  	s12 =	sxor.u32 @!p2 $0xFFFFFFFF, s11  }
0x18: {  	s12 =	sshll.u32 @!p2 s12, $0xD  }
0x19: {  	s13 =	sshrl.u32 @!p2 s10, $0x3;
	s12 =	sand.u32 @!p2 $0x2000, s12  }
0x1a: {  	s16 =	sand.u32 @!p2 $0x7, s10;
	s14 =	sadd.s32 @!p2 s5, s13;
	s15 =	sadd.s32 @!p2 $0x3200, s12  }
0x1b: {  	[tilespmem:s15], [sflag:$0x2] =	stream.linear.gather @!p2 [hbm4b:s14+s16], $0x2000, $0x38;
	[tilespmem:$0xB200] =	vst v63  }
0x1c: {  	s13 =	sadd.s32 @!p2 s7, s13;
	s12 =	sadd.s32 @!p2 $0x7200, s12  }
0x1d: {  	[tilespmem:s12], [sflag:$0x2] =	stream.linear.gather @!p2 [hbm4b:s13+s16], $0x2000, $0x38;
	[tilespmem:$0xB200] =	vst v63  }
0x1e: {  	p2 =	seq.s32 s11, $0x0  }
.Ltmp2:
0x1f: {  	_ = 	snop;
	(pc) =	sbr.rel @p2 .LBB2_5-.Ltmp2, $1  }
0x20: {  	_ =	sdelay $0x3  }
0x21: {  	s12 =	simm.s32 $0x1  }
0x22: {  	_ =	swait.ge [sflag:s6], $0x4000;
	s12 =	simm.s32 @!p1 $0x0  }
0x23: {  	[sflag:s6] =	ssyncset.done $0x0;
	s12 =	sshll.u32 s12, $0xD  }
0x24: {  	[sflag:s6] =	ssyncadd.s32 $0xFFFFC000;
	s14 =	sadd.s32 $0x3200, s12  }
0x25: {  	v0 =	vld.msk [tilespmem:s14+$0x0 ss:$0x1], $0xffff;
	_ =	sdelay $0x4  }
0x26: {  	v0 =	vmin.u32 v0, $0x32000;
	_ =	sdelay $0x3  }
0x27: {  	s13 =	simm.s32 $0x0;
	s12 =	sadd.s32 $0x7200, s12;
	s14 =	sadd.s32 $0x10, s14  }
0x28: {  	[spmem:s9] =	stream.indirect_vreg.scatter.add.s32 [tilespmem:s12], [sflag:$0x1], $0x1, v0, vm0, $0x4038;
	[tilespmem:$0xB200] =	vst v63  }
.LBB2_3:
0x29: {  	v0 =	vld.msk [tilespmem:s14+$0x0 ss:$0x1], $0xffff;
	s13 =	sadd.s32 $0x10, s13  }
0x2a: {  	p2 =	slt.u32 s13, $0x1FF0;
	_ =	sdelay $0x4  }
0x2b: {  	v0 =	vmin.u32 v0, $0x32000  }
.Ltmp3:
0x2c: {  	(pc) =	sbr.rel @p2 .LBB2_3-.Ltmp3, $3  }
0x2d: {  	_ =	sdelay $0x1  }
0x2e: {  	s14 =	sadd.s32 $0x10, s14;
	s12 =	sadd.s32 $0x10, s12  }
0x2f: {  	[spmem:s9] =	stream.indirect_vreg.scatter.add.s32 [tilespmem:s12], [sflag:$0x1], $0x1, v0, vm0, $0x4038;
	[tilespmem:$0xB200] =	vst v63  }
.Ltmp4:
0x30: {  	(pc) =	sbr.rel .LBB2_5-.Ltmp4, $4  }
0x31: {  	_ = 	snop  }
0x32: {  	_ =	swait.ge [sflag:s4], $0x2000  }
0x33: {  	[sflag:s4] =	ssyncset.done $0x0  }
0x34: {  	[sflag:s4] =	ssyncadd.s32 $0xFFFFE000  }
.LBB2_6:
0x35: {  	_ =	sfence.sel $0x180000  }
0x36: {  	s2 =	simm.s32 $0x2;
	[bflag:$0x0] =	sbarrier.arrive $0xFFFF  }
0x37: {  	s30 =	simm.s32 $0x1;
	[sflag:s2] =	ssyncpa.u1 $0x1  }
0x38: {  	[sflag:s30] =	ssyncpa.u1 $0x1  }
0x39: {  	_ =	sfence.stream.spmem  }
0x3a: {  	s31 =	simm.s32 $0x3D;
	[bflag:$0x0] =	sbarrier.arrive $0xFFFF  }
0x3b: {  	s2 =	simm.s32 @p0 $0x3D;
	[sflag:s31] =	ssyncpa.u1 $0x0  }
0x3c: {  	[sflag:s2] =	ssyncpa.u1 @p0 $0x1  }
0x3d: {  	[bflag:$0x0] =	sbarrier.arrive @p0 $0xFFFF  }
0x3e: {  	_ =	strace @p0 $0x9000004D  }
0x3f: {  	s3 =	simm.s32 @!p0 $0x1C3D;
	s2 =	simm.s32 @!p0 $0x0;
	[bflag:$0x2] =	sbarrier.arrive @p0 $0xFFFF  }
0x40: {  	[hbm:s1], [sflag:s3] =	dma.local @!p0 [spmem:s2], $0x6400  }
0x41: {  	s1 =	simm.s32 @!p0 $0x3D  }
0x42: {  	_ =	swait.ge @!p0 [sflag:s1], $0x6400  }
0x43: {  	[sflag:s1] =	ssyncset.done @!p0 $0x0  }
0x44: {  	[sflag:s1] =	ssyncadd.s32 @!p0 $0xFFFF9C00  }
0x45: {  	[sflag:s1] =	ssyncpa.u1 @!p0 $0x1  }
0x46: {  	[bflag:$0x0] =	sbarrier.arrive @!p0 $0xFFFF  }
0x47: {  	_ =	strace @!p0 $0x9000004D  }
0x48: {  	s0 =	sadd.s32 @!p0 $0x100000, s0;
	[bflag:$0x2] =	sbarrier.arrive @!p0 $0xFFFF  }
0x49: {  	[sflag:s0] =	ssyncadd.tile.s32 @!p0 $0x1;
	_ =	shalt  }
.Lfunc_end2:
_tile_overlayer_lowered:
.L_overlay_start_2:
0x4a: {  	(tag) =	ssettag $0x2  }
0x4b: {  	s0 =	rddreg [dreg:$0x0];
	s2 =	stileid.u32  }
0x4c: {  	s1 =	rddreg [dreg:$0x1];
	p0 =	sne.s32 s2, $0x0  }
0x4d: {  	s3 =	rddreg [dreg:$0x2];
	[bflag:$0x3] =	sbarrier.arrive $0xFFFF;
	s2 =	simm.s32 @!p0 $0x1C01  }
0x4e: {  	[timem:s3], [sflag:s2] =	dma.local @!p0 [hbm:s0], s1  }
0x4f: {  	s0 =	simm.s32 @!p0 $0x1  }
0x50: {  	_ =	swait.ge @!p0 [sflag:s0], s1  }
0x51: {  	s1 =	ssub.s32 @!p0 $0x0, s1;
	[sflag:s0] =	ssyncset.done @!p0 $0x0  }
0x52: {  	[sflag:s0] =	ssyncadd.s32 @!p0 s1  }
0x53: {  	[bflag:$0x3] =	sbarrier.arrive $0xFFFF  }
0x54: {  	_ =	shalt  }

// kernel: scatter_offload_async_start
scs
__scs_entry_jumppad:
0x0: {  	(pc) =	sbr.rel $0x88, $3  }
0x1: {  	(tag) =	ssettag $0x0;
	lr =	simm.s32 $0x1  }
0x2: {  	[smem:$0x3F99] =	sst lr;
	_ =	strace $0xD0000000  }
0x3: {  	_ = 	snop  }
0x4: {  	_ = 	snop  }
0x5: {  	_ = 	snop  }
0x6: {  	_ = 	snop  }
0x7: {  	_ = 	snop  }
__scs_overlays_trampoline_lowered:
0x8: {  	[smem:$0x3FA8] =	sst s0  }
0x9: {  	[smem:$0x3FA9] =	sst s1  }
0xa: {  	[smem:$0x3FAA] =	sst s2  }
0xb: {  	[smem:$0x3FAB] =	sst s3  }
0xc: {  	[smem:$0x3FAC] =	sst s4  }
0xd: {  	[smem:$0x3FAD] =	sst s5  }
0xe: {  	[smem:$0x3FAE] =	sst s6  }
0xf: {  	[smem:$0x3FAF] =	sst s7  }
0x10: {  	[smem:$0x3FB0] =	sst s8  }
0x11: {  	[smem:$0x3FB1] =	sst s9;
	s0 =	simm.s32 @!p0 $0x0  }
0x12: {  	s1 =	sld [smem:$0x3F97];
	s0 =	simm.s32 @p0 $0x1  }
0x13: {  	[smem:$0x3FB2] =	sst s0;
	s0 =	simm.s32 @!p1 $0x0  }
0x14: {  	s2 =	sld [smem:$0x3F96];
	s0 =	simm.s32 @p1 $0x1  }
0x15: {  	[smem:$0x3FB3] =	sst s0;
	s0 =	simm.s32 @!p2 $0x0  }
0x16: {  	s3 =	sld [smem:$0x3FDB];
	s0 =	simm.s32 @p2 $0x1  }
0x17: {  	s4 =	simm.s32 $0x1BF5;
	[smem:$0x3FB5] =	sst s0  }
0x18: {  	s0 =	sld [smem:$0x3F98];
	_ =	swait.ge [sflag:s4], $0x0  }
0x19: {  	s7 =	sld [smem:$0x3F99]  }
0x1a: {  	s8 =	sadd.s32 $0xFFFFE003, lr  }
0x1b: {  	s9 =	sadd.s32 $0xFFFFFEF7, lr;
	s5 =	simm.s32 $0xFFFFFFFF;
	p2 =	slt.u32 s8, $0xFFFFF086  }
0x1c: {  	p1 =	slt.u32 s9, $0xF7A;
	s5 =	simm.s32 @!p2 $0x0  }
0x1d: {  	s5 =	simm.s32 @p1 $0x1;
	p0 =	seq.s32 s7, s2  }
0x1e: {  	s7 =	smul.u32 @!p0 $0xF7A, s2;
	p2 =	seq.s32 @!p0 s5, $0x0  }
0x1f: {  	s9 =	smul.u32 $0xF7A, s1;
	s8 =	simm.s32 @!p0 $0x1BF5;
	p2 =	por !p2, p0  }
0x20: {  	[sflag:s8] =	ssyncset.s32 @!p0 $0xFFFFF086;
	s6 =	sadd.s32 @!p0 s3, s7;
	s7 =	simm.s32 @!p0 $0x108  }
0x21: {  	s3 =	sadd.s32 s3, s9;
	s6 =	sadd.s32 @!p0 $0x88, s6;
	s7 =	simm.s32 @p2 $0x1082  }
0x22: {  	[simem:s7], [sflag:s8] =	dma.local @!p0 [hbm:s6], $0xF7A  }
0x23: {  	s9 =	sor.u32 $0xD0000000, s2;
	s6 =	simm.s32 $0x108;
	_ =	swait.ge @!p0 [sflag:s8], $0x0  }
0x24: {  	s3 =	sadd.s32 $0x88, s3;
	s6 =	simm.s32 @!p1 $0x1082;
	[sflag:s4] =	ssyncset.s32 $0xFFFFF086  }
0x25: {  	[simem:s6], [sflag:s4] =	dma.local [hbm:s3], $0xF7A  }
0x26: {  	[smem:$0x3F99] =	sst s1;
	(tag) =	ssettag s2;
	_ =	strace s9  }
0x27: {  	s1 =	sld [smem:$0x3FA9]  }
0x28: {  	s2 =	sld [smem:$0x3FAA]  }
0x29: {  	s4 =	sld [smem:$0x3FAC]  }
0x2a: {  	p0 =	seq.s32 s5, $0x0;
	s5 =	sld [smem:$0x3FAD]  }
0x2b: {  	s6 =	sld [smem:$0x3FAE]  }
0x2c: {  	s7 =	sld [smem:$0x3FAF]  }
0x2d: {  	s3 =	simm.s32 $0x108;
	s8 =	sld [smem:$0x3FB0]  }
0x2e: {  	s3 =	simm.s32 @!p0 $0x1082;
	s9 =	sld [smem:$0x3FB1]  }
0x2f: {  	lr =	sadd.s32 s0, s3;
	s0 =	sld [smem:$0x3FA8]  }
0x30: {  	s3 =	sld [smem:$0x3FAB]  }
0x31: {  	[smem:$0x3FB4] =	sst s10  }
0x32: {  	s10 =	sld [smem:$0x3FB2];
	_ =	sdelay $0x3  }
0x33: {  	p0 =	seq.s32 s10, $0x1;
	s10 =	sld [smem:$0x3FB4];
	_ =	sdelay $0x3  }
0x34: {  	[smem:$0x3FB4] =	sst s10  }
0x35: {  	s10 =	sld [smem:$0x3FB3];
	_ =	sdelay $0x3  }
0x36: {  	p1 =	seq.s32 s10, $0x1;
	s10 =	sld [smem:$0x3FB4];
	_ =	sdelay $0x3  }
0x37: {  	[smem:$0x3FB4] =	sst s10  }
0x38: {  	s10 =	sld [smem:$0x3FB5]  }
0x39: {  	_ = 	snop;
	(pc) =	sbr.ind lr, $3  }
0x3a: {  	_ = 	snop  }
0x3b: {  	_ = 	snop  }
0x3c: {  	p2 =	seq.s32 s10, $0x1;
	s10 =	sld [smem:$0x3FB4]  }
0x3d: {  	_ =	shalt  }
0x3e: {  	_ =	shalt  }
0x3f: {  	_ =	shalt  }
0x40: {  	_ =	shalt  }
0x41: {  	_ =	shalt  }
0x42: {  	_ =	shalt  }
0x43: {  	_ =	shalt  }
0x44: {  	_ =	shalt  }
0x45: {  	_ =	shalt  }
0x46: {  	_ =	shalt  }
0x47: {  	_ =	shalt  }
0x48: {  	_ =	shalt  }
0x49: {  	_ =	shalt  }
0x4a: {  	_ =	shalt  }
0x4b: {  	_ =	shalt  }
0x4c: {  	_ =	shalt  }
0x4d: {  	_ =	shalt  }
0x4e: {  	_ =	shalt  }
0x4f: {  	_ =	shalt  }
0x50: {  	_ =	shalt  }
0x51: {  	_ =	shalt  }
0x52: {  	_ =	shalt  }
0x53: {  	_ =	shalt  }
0x54: {  	_ =	shalt  }
0x55: {  	_ =	shalt  }
0x56: {  	_ =	shalt  }
0x57: {  	_ =	shalt  }
0x58: {  	_ =	shalt  }
0x59: {  	_ =	shalt  }
0x5a: {  	_ =	shalt  }
0x5b: {  	_ =	shalt  }
0x5c: {  	_ =	shalt  }
0x5d: {  	_ =	shalt  }
0x5e: {  	_ =	shalt  }
0x5f: {  	_ =	shalt  }
0x60: {  	_ =	shalt  }
0x61: {  	_ =	shalt  }
0x62: {  	_ =	shalt  }
0x63: {  	_ =	shalt  }
0x64: {  	_ =	shalt  }
0x65: {  	_ =	shalt  }
0x66: {  	_ =	shalt  }
0x67: {  	_ =	shalt  }
0x68: {  	_ =	shalt  }
0x69: {  	_ =	shalt  }
0x6a: {  	_ =	shalt  }
0x6b: {  	_ =	shalt  }
0x6c: {  	_ =	shalt  }
0x6d: {  	_ =	shalt  }
0x6e: {  	_ =	shalt  }
0x6f: {  	_ =	shalt  }
0x70: {  	_ =	shalt  }
0x71: {  	_ =	shalt  }
0x72: {  	_ =	shalt  }
0x73: {  	_ =	shalt  }
0x74: {  	_ =	shalt  }
0x75: {  	_ =	shalt  }
0x76: {  	_ =	shalt  }
0x77: {  	_ =	shalt  }
0x78: {  	_ =	shalt  }
0x79: {  	_ =	shalt  }
0x7a: {  	_ =	shalt  }
0x7b: {  	_ =	shalt  }
0x7c: {  	_ =	shalt  }
0x7d: {  	_ =	shalt  }
0x7e: {  	_ =	shalt  }
0x7f: {  	_ =	shalt  }
0x80: {  	_ =	shalt  }
0x81: {  	_ =	shalt  }
0x82: {  	_ =	shalt  }
0x83: {  	_ =	shalt  }
0x84: {  	_ =	shalt  }
0x85: {  	_ =	shalt  }
0x86: {  	_ =	shalt  }
0x87: {  	_ =	shalt  }
.Lfunc_end0:
.L_simem_size_0:
called_computation_lowered:
.L_overlay_start_0:
0x88: {  	s0 =	sld [smem:$0x3FD9]  }
0x89: {  	s1 =	sld [smem:$0x3FFE];
	_ =	sdelay $0x3  }
0x8a: {  	s0 =	sadd.s32 s1, s0  }
0x8b: {  	[smem:$0x3FC0] =	sst s0  }
0x8c: {  	_ = 	snop  }
0x8d: {  	(tm) =	ssettm $0x1  }
0x8e: {  	s14 =	sld [smem:$0x3FFB];
	_ =	sdelay $0x3  }
0x8f: {  	_ =	strace s14  }
0x90: {  	s0 =	sld [smem:$0x3FFC];
	_ =	sdelay $0x3  }
0x91: {  	_ =	strace s0  }
0x92: {  	s0 =	sld [smem:$0x3FFD];
	_ =	sdelay $0x3  }
0x93: {  	_ =	strace s0  }
0x94: {  	_ =	strace $0x8FFFFFFF  }
0x95: {  	s15 =	sld [smem:$0x3FDB];
	_ =	sdelay $0x1  }
0x96: {  	s16 =	simm.s32 $_scs_section_size  }
0x97: {  	s2 =	simm.s32 $_size__tile_overlayer_lowered;
	s3 =	simm.s32 $_tile_overlayer_lowered  }
0x98: {  	s4 =	simm.s32 $0x1BFF;
	s17 =	sshll.u32 s3, $0x1;
	s1 =	sadd.s32 s16, s15  }
0x99: {  	s18 =	simm.s32 $0x0;
	s2 =	sshll.u32 s2, $0x1;
	s3 =	sadd.s32 s17, s1  }
0x9a: {  	[timem:s18], [sflag:s4] =	dma.local [hbm:s3], s2  }
0x9b: {  	_ =	swait.ge [sflag:s4], s2  }
0x9c: {  	s2 =	ssub.s32 $0x0, s2;
	[sflag:s4] =	ssyncset.done $0x0  }
0x9d: {  	[sflag:s4] =	ssyncadd.s32 s2;
	_ =	sdelay $0x1  }
0x9e: {  	s19 =	simm.s32 $0x1B8B  }
0x9f: {  	_ =	swait.ge [sflag:s19], $0x1  }
0xa0: {  	[sflag:s19] =	ssyncset.done $0x0  }
0xa1: {  	s21 =	simm.s32 $0x1B8E;
	s20 =	sld [smem:$0x3FFE];
	[sflag:s19] =	ssyncadd.s32 $0xFFFFFFFF  }
0xa2: {  	s22 =	simm.s32 $execute0_lowered;
	[smem:$0x3FD2] =	sst s21  }
0xa3: {  	s3 =	sshll.u32 s22, $0x1;
	_ =	strace $0x80000046;
	[dreg:$0x1] =	wrdreg $0xFFFFFFFF  }
0xa4: {  	s23 =	simm.s32 $_size_execute0_lowered;
	s3 =	sadd.s32 s1, s3;
	[dreg:$0x0] =	wrdreg $0x0  }
0xa5: {  	s4 =	sshll.u32 s23, $0x1;
	[dreg:$0x2] =	wrdreg s3  }
0xa6: {  	[dreg:$0x3] =	wrdreg s4  }
0xa7: {  	[dreg:$0x4] =	wrdreg $0xC0  }
0xa8: {  	s24 =	simm.s32 $execute1_lowered;
	_ =	task [dreg:s18], $0x5FFFF  }
0xa9: {  	s3 =	sshll.u32 s24, $0x1;
	[dreg:$0x1] =	wrdreg $0xFFFFFFFF  }
0xaa: {  	s1 =	sadd.s32 s1, s3;
	[dreg:$0x0] =	wrdreg $0x60  }
0xab: {  	[dreg:$0x2] =	wrdreg s1  }
0xac: {  	[dreg:$0x3] =	wrdreg s20  }
0xad: {  	[dreg:$0x4] =	wrdreg $0x9  }
0xae: {  	_ =	task.clear_ibuf [dreg:s18], $0x5FFFF;
	_ =	strace $0x90000046  }
0xaf: {  	s25 =	simm.s32 $0x9;
	_ =	strace $0x80000048  }
0xb0: {  	_ =	swait.ge [sflag:s25], $0x1  }
0xb1: {  	[sflag:s25] =	ssyncadd.s32 $0xFFFFFFFF  }
0xb2: {  	_ =	strace $0x90000048  }
0xb3: {  	_ =	strace $0x80000049;
	[dreg:$0x1] =	wrdreg $0xFFFFFFFF  }
0xb4: {  	[dreg:$0x0] =	wrdreg $0x2030  }
0xb5: {  	[dreg:$0x2] =	wrdreg s20  }
0xb6: {  	[dreg:$0x3] =	wrdreg $0xA  }
0xb7: {  	_ =	task.clear_ibuf [dreg:s18], $0x4FFFF;
	_ =	strace $0x90000049  }
0xb8: {  	s26 =	simm.s32 $0xA;
	_ =	strace $0x8000004B  }
0xb9: {  	_ =	swait.ge [sflag:s26], $0x1  }
0xba: {  	[sflag:s26] =	ssyncadd.s32 $0xFFFFFFFF  }
0xbb: {  	_ =	strace $0x9000004B  }
0xbc: {  	_ =	sfence  }
0xbd: {  	s28 =	sld [smem:$0x0];
	_ =	sdelay $0x1  }
0xbe: {  	s29 =	srdreg.scid  }
0xbf: {  	s30 =	sshll.u32 s29, $0xD;
	s31 =	sshrl.u32 s29, $0x2  }
0xc0: {  	s2 =	sand.u32 $0x1, s29;
	s3 =	sand.u32 $0x4000, s30;
	s1 =	sadd.s32 s31, s28  }
0xc1: {  	s2 =	sor.u32 s3, s2;
	s1 =	sshll.u32 s1, $0x11  }
0xc2: {  	s1 =	sor.u32 s1, s2  }
0xc3: {  	s1 =	sadd.s32 $0x8F2B, s1  }
0xc4: {  	[sflag:s1] =	ssyncadd.remote.s32 $0x1  }
0xc5: {  	_ =	sfence.sel $0xFFFF  }
0xc6: {  	[dreg:$0x0] =	wrdreg $0xFFFFFFFF;
	(pc) =	sbr.abs _section_cstart, $3  }
0xc7: {  	[dreg:$0x1] =	wrdreg $0xFFFFFFFF  }
0xc8: {  	_ =	task.clear_ibuf [dreg:s18], $0x2FFFF;
	_ =	strace $0x9FFFFFFF  }
0xc9: {  	(tm) =	ssettm $0x7FFFFFFF  }
tec
execute0_lowered:
.L_overlay_start_1:
0x0: {  	(tag) =	ssettag $0x1  }
0x1: {  	s3 =	rddreg [dreg:$0x0];
	s4 =	stileid.u32  }
0x2: {  	s5 =	rddreg [dreg:$0x1];
	s2 =	smul.u32 $0x1900, s4  }
0x3: {  	s0 =	rddreg [dreg:$0x2];
	[bflag:$0x3] =	sbarrier.arrive $0xFFFF;
	s1 =	simm.s32 $_size_execute1_lowered  }
0x4: {  	s1 =	sshll.u32 s1, $0x1;
	p0 =	sne.s32 s4, $0x0;
	s6 =	ssub.s32 $0x32000, s2  }
0x5: {  	s4 =	simm.s32 @!p0 $0x1C3F;
	s7 =	simm.s32 @!p0 $0x4060;
	s8 =	smulhi.u32 $0x51EB9, s6  }
0x6: {  	[timem:s7], [sflag:s4] =	dma.local @!p0 [hbm:s3], s1  }
0x7: {  	s30 =	sshrl.u32 s8, $0x3  }
0x8: {  	s31 =	simm.s32 $0x2;
	s8 =	smul.u32 $0x19000, s30  }
.Ltmp0:
0x9: {  	s10 =	simm.s32 $0x0;
	s9 =	simm.s32 $0x0;
	(pc) =	sbr.rel .LBB2_1-.Ltmp0, $4  }
0xa: {  	s3 =	sadd.s32 $0x6400, s5;
	p1 =	sne.s32 s6, s8;
	s6 =	simm.s32 $0x1  }
0xb: {  	s4 =	simm.s32 $0x1;
	_ =	strace $0x80000047;
	s6 =	simm.s32 @!p1 $0x0  }
0xc: {  	s5 =	sadd.s32 $0x12C00, s5;
	[sflag:s4] =	ssyncpa.u1 $0x0;
	s6 =	sadd.s32 s6, s30  }
0xd: {  	[sflag:s31] =	ssyncpa.u1 $0x0;
	s8 =	smov.u32 s2;
	s7 =	sadd.s32 $0x1, s6  }
.LBB2_4:
0xe: {  	[tilespmem:s11+$0x30] =	vst v0  }
0xf: {  	[tilespmem:s11+$0x40] =	vst v1  }
0x10: {  	[tilespmem:s11+$0x50] =	vst v2  }
0x11: {  	[tilespmem:s11+$0x60] =	vst v3;
	s13 =	sshrl.u32 s10, $0x3  }
0x12: {  	[tilespmem:s11+$0xFFFFFF80] =	vst v4;
	s31 =	sand.u32 $0x7, s10;
	s30 =	sadd.s32 s5, s13  }
0x13: {  	[hbm4b:s30+s31] =	stream.linear.scatter [tilespmem:s12], [sflag:$0x2], $0x1900, $0x38;
	[tilespmem:$0x6400] =	vst v63  }
.LBB2_5:
0x14: {  	s12 =	sadd.s32 $0x19000, s8  }
0x15: {  	p2 =	sgt.s32 s12, $0x31FFF  }
0x16: {  	s12 =	smov.u32 @p2 s2;
	p2 =	sne.s32 s9, s7  }
.Ltmp1:
0x17: {  	p1 =	slt.u32 s9, $0x2;
	(pc) =	sbr.rel @!p2 .LBB2_6-.Ltmp1, $4  }
0x18: {  	s11 =	simm.s32 @!p1 $0x2  }
0x19: {  	_ =	swait.ge @!p1 [sflag:s11], $0x1900  }
0x1a: {  	s13 =	sadd.s32 $0x1, s9;
	s10 =	smov.u32 s8;
	[sflag:s11] =	ssyncset.done @!p1 $0x0  }
0x1b: {  	s9 =	smov.u32 s13;
	s8 =	smov.u32 s12;
	[sflag:s11] =	ssyncadd.s32 @!p1 $0xFFFFE700  }
.LBB2_1:
0x1c: {  	p1 =	sge.u32 s9, s6  }
0x1d: {  	s11 =	sxor.u32 @!p1 $0xFFFFFFFF, s9  }
0x1e: {  	s11 =	sand.u32 @!p1 $0x1, s11  }
0x1f: {  	s11 =	smul.u32 @!p1 $0x6400, s11  }
0x20: {  	s31 =	sadd.s32 $0xFFFFFFFF, s9;
	s12 =	sshrl.u32 @!p1 s8, $0x3  }
0x21: {  	s13 =	sand.u32 @!p1 $0x7, s8;
	s12 =	sadd.s32 @!p1 s3, s12;
	s11 =	sshrl.u32 @!p1 s11, $0x2  }
0x22: {  	[tilespmem:s11], [sflag:$0x1] =	stream.linear.gather @!p1 [hbm4b:s12+s13], $0x1900, $0x38;
	[tilespmem:$0x6400] =	vst v63  }
0x23: {  	p1 =	sge.u32 s31, s6  }
.Ltmp2:
0x24: {  	_ = 	snop;
	(pc) =	sbr.rel @p1 .LBB2_5-.Ltmp2, $1  }
0x25: {  	_ =	sdelay $0x3  }
0x26: {  	s11 =	sand.u32 $0x1, s9  }
0x27: {  	_ =	swait.ge [sflag:s4], $0x1900;
	s12 =	simm.s32 $0x1900;
	p1 =	seq.s32 s11, $0x1  }
0x28: {  	[sflag:s4] =	ssyncset.done $0x0;
	s12 =	simm.s32 @!p1 $0x0  }
0x29: {  	[sflag:s4] =	ssyncadd.s32 $0xFFFFE700;
	s14 =	sor.u32 $0x80, s12  }
0x2a: {  	v0 =	vld [tilespmem:s14+$0x70]  }
0x2b: {  	v1 =	vld [tilespmem:s14+$0xFFFFFF90]  }
0x2c: {  	v2 =	vld [tilespmem:s14+$0xFFFFFFA0]  }
0x2d: {  	v3 =	vld [tilespmem:s14+$0xFFFFFFB0]  }
0x2e: {  	s11 =	sadd.s32 $0x3280, s12;
	v4 =	vld [tilespmem:s14+$0xFFFFFFC0]  }
0x2f: {  	v5 =	vld [tilespmem:s14+$0xFFFFFFD0];
	[tilespmem:s11+$0x70] =	vst v0  }
0x30: {  	[tilespmem:s11+$0xFFFFFF90] =	vst v1;
	v0 =	vld [tilespmem:s14+$0xFFFFFFE0]  }
0x31: {  	[tilespmem:s11+$0xFFFFFFA0] =	vst v2;
	v1 =	vld [tilespmem:s14+$0xFFFFFFF0]  }
0x32: {  	[tilespmem:s11+$0xFFFFFFB0] =	vst v3;
	v2 =	vld [tilespmem:s14+$0x0]  }
0x33: {  	[tilespmem:s11+$0xFFFFFFC0] =	vst v4;
	v3 =	vld [tilespmem:s14+$0x10]  }
0x34: {  	[tilespmem:s11+$0xFFFFFFD0] =	vst v5;
	v5 =	vld [tilespmem:s14+$0x20]  }
0x35: {  	[tilespmem:s11+$0xFFFFFFE0] =	vst v0;
	v0 =	vld [tilespmem:s14+$0x30]  }
0x36: {  	[tilespmem:s11+$0xFFFFFFF0] =	vst v1;
	v1 =	vld [tilespmem:s14+$0x40]  }
0x37: {  	[tilespmem:s11+$0x0] =	vst v2;
	v2 =	vld [tilespmem:s14+$0x50]  }
0x38: {  	[tilespmem:s11+$0x10] =	vst v3;
	v3 =	vld [tilespmem:s14+$0x60]  }
0x39: {  	s13 =	simm.s32 $0x0;
	s12 =	sadd.s32 $0x3200, s12;
	v4 =	vld [tilespmem:s14+$0xFFFFFF80];
	[tilespmem:s11+$0x20] =	vst v5;
	s14 =	sadd.s32 $0x100, s14  }
.LBB2_3:
0x3a: {  	v5 =	vld [tilespmem:s14+$0x70];
	s13 =	sadd.s32 $0x100, s13;
	[tilespmem:s11+$0x30] =	vst v0  }
0x3b: {  	v0 =	vld [tilespmem:s14+$0xFFFFFF90];
	p1 =	slt.u32 s13, $0x1800;
	[tilespmem:s11+$0x40] =	vst v1  }
0x3c: {  	v1 =	vld [tilespmem:s14+$0xFFFFFFA0];
	[tilespmem:s11+$0x50] =	vst v2  }
0x3d: {  	v2 =	vld [tilespmem:s14+$0xFFFFFFB0];
	[tilespmem:s11+$0x60] =	vst v3  }
0x3e: {  	v3 =	vld [tilespmem:s14+$0xFFFFFFC0];
	[tilespmem:s11+$0xFFFFFF80] =	vst v4;
	s11 =	sadd.s32 $0x100, s11  }
0x3f: {  	v4 =	vld [tilespmem:s14+$0xFFFFFFD0];
	[tilespmem:s11+$0x70] =	vst v5  }
0x40: {  	[tilespmem:s11+$0xFFFFFF90] =	vst v0;
	v0 =	vld [tilespmem:s14+$0xFFFFFFE0]  }
0x41: {  	[tilespmem:s11+$0xFFFFFFA0] =	vst v1;
	v1 =	vld [tilespmem:s14+$0xFFFFFFF0]  }
0x42: {  	[tilespmem:s11+$0xFFFFFFB0] =	vst v2;
	v2 =	vld [tilespmem:s14+$0x0]  }
0x43: {  	[tilespmem:s11+$0xFFFFFFC0] =	vst v3;
	v3 =	vld [tilespmem:s14+$0x10]  }
0x44: {  	[tilespmem:s11+$0xFFFFFFD0] =	vst v4;
	v5 =	vld [tilespmem:s14+$0x20]  }
.Ltmp3:
0x45: {  	[tilespmem:s11+$0xFFFFFFE0] =	vst v0;
	v0 =	vld [tilespmem:s14+$0x30];
	(pc) =	sbr.rel @p1 .LBB2_3-.Ltmp3, $4  }
0x46: {  	[tilespmem:s11+$0xFFFFFFF0] =	vst v1;
	v1 =	vld [tilespmem:s14+$0x40]  }
0x47: {  	[tilespmem:s11+$0x0] =	vst v2;
	v2 =	vld [tilespmem:s14+$0x50]  }
0x48: {  	[tilespmem:s11+$0x10] =	vst v3;
	v3 =	vld [tilespmem:s14+$0x60]  }
0x49: {  	v4 =	vld [tilespmem:s14+$0xFFFFFF80];
	[tilespmem:s11+$0x20] =	vst v5;
	s14 =	sadd.s32 $0x100, s14  }
.Ltmp4:
0x4a: {  	_ = 	snop;
	(pc) =	sbr.rel .LBB2_4-.Ltmp4, $1  }
0x4b: {  	_ =	sdelay $0x3  }
.LBB2_6:
0x4c: {  	_ =	sfence.sel $0x180000  }
0x4d: {  	s2 =	simm.s32 $0x1;
	[bflag:$0x0] =	sbarrier.arrive $0xFFFF  }
0x4e: {  	s31 =	simm.s32 $0x2;
	[sflag:s2] =	ssyncpa.u1 $0x1  }
0x4f: {  	[sflag:s31] =	ssyncpa.u1 $0x1  }
0x50: {  	_ =	strace $0x90000047  }
0x51: {  	s0 =	sadd.s32 @!p0 $0x100000, s0;
	[bflag:$0x2] =	sbarrier.arrive $0xFFFF  }
0x52: {  	[sflag:s0] =	ssyncadd.tile.s32 @!p0 $0x1;
	s0 =	simm.s32 @!p0 $0x3F  }
0x53: {  	_ =	swait.ge @!p0 [sflag:s0], s1  }
0x54: {  	s1 =	ssub.s32 @!p0 $0x0, s1;
	[sflag:s0] =	ssyncset.done @!p0 $0x0  }
0x55: {  	[sflag:s0] =	ssyncadd.s32 @!p0 s1  }
0x56: {  	[bflag:$0x3] =	sbarrier.arrive $0xFFFF  }
0x57: {  	_ =	shalt  }
.Lfunc_end2:
execute1_lowered:
.L_overlay_start_2:
0x58: {  	(tag) =	ssettag $0x2  }
0x59: {  	s2 =	rddreg [dreg:$0x0]  }
0x5a: {  	s0 =	rddreg [dreg:$0x1];
	_ =	strace $0x8000004A  }
0x5b: {  	s3 =	stileid.u32;
	s5 =	simm.s32 $0x3E;
	s7 =	simm.s32 $0x4000  }
0x5c: {  	s9 =	simm.s32 $0x0;
	s11 =	simm.s32 $0x0;
	s1 =	sadd.s32 $0x12C00, s2  }
0x5d: {  	p0 =	sne.s32 s3, $0x0;
	[sflag:s5] =	ssyncpa.u1 $0x0;
	s30 =	smin.u32 s3, $0x9  }
0x5e: {  	p1 =	slt.u32 s3, $0x9;
	s4 =	simm.s32 @!p0 $0x1C3E;
	s6 =	simm.s32 @!p0 $0x0  }
0x5f: {  	[spmem:s6], [sflag:s4] =	dma.local @!p0 [hbm:s1], $0x6400  }
0x60: {  	s7 =	simm.s32 @!p1 $0x2000;
	s4 =	simm.s32 @!p0 $0x3E;
	s6 =	sadd.s32 s3, s30  }
0x61: {  	_ =	swait.ge @!p0 [sflag:s4], $0x6400;
	s3 =	sshll.u32 s6, $0xD;
	s6 =	simm.s32 $0x2  }
0x62: {  	[sflag:s4] =	ssyncset.done @!p0 $0x0;
	s31 =	sadd.s32 s7, s3;
	s7 =	sadd.s32 $0xC800, s2  }
.Ltmp5:
0x63: {  	[sflag:s4] =	ssyncadd.s32 @!p0 $0xFFFF9C00;
	s4 =	smin.u32 s31, $0x32000;
	(pc) =	sbr.rel .LBB3_1-.Ltmp5, $4  }
0x64: {  	s10 =	smov.u32 s3;
	[bflag:$0x0] =	sbarrier.arrive $0xFFFF;
	s8 =	ssub.s32 s4, s3  }
0x65: {  	[sflag:s5] =	ssyncpa.u1 $0x1;
	s5 =	simm.s32 $0x1;
	p1 =	sgt.s32 s8, $0x0  }
0x66: {  	[sflag:s5] =	ssyncpa.u1 $0x0;
	(ifvalue) =	ssetifvalue $0x32000;
	s8 =	simm.s32 @!p1 $0x0  }
0x67: {  	vm0 =	vmmov $0xffff;
	[sflag:s6] =	ssyncpa.u1 $0x0;
	p1 =	por $0x0, $0x0;
	s8 =	sshrl.u32 s8, $0xD  }
.LBB3_5:
0x68: {  	p3 =	sne.s32 s11, s8  }
.Ltmp6:
0x69: {  	_ = 	snop;
	(pc) =	sbr.rel @!p3 .LBB3_6-.Ltmp6, $4  }
0x6a: {  	_ = 	snop  }
0x6b: {  	s12 =	sadd.s32 $0x2000, s10  }
0x6c: {  	s10 =	smov.u32 s3;
	s13 =	sadd.s32 $0x1, s11;
	p2 =	slt.s32 s12, s4  }
0x6d: {  	p1 =	por !p1, !p1;
	s11 =	smov.u32 s13;
	s10 =	smov.u32 @p2 s12  }
.LBB3_1:
0x6e: {  	p2 =	sge.u32 s11, s8  }
0x6f: {  	s12 =	sxor.u32 @!p2 $0xFFFFFFFF, s11  }
0x70: {  	s12 =	sshll.u32 @!p2 s12, $0xD  }
0x71: {  	s13 =	sshrl.u32 @!p2 s10, $0x3;
	s12 =	sand.u32 @!p2 $0x2000, s12  }
0x72: {  	s16 =	sand.u32 @!p2 $0x7, s10;
	s14 =	sadd.s32 @!p2 s2, s13;
	s15 =	sadd.s32 @!p2 $0x3200, s12  }
0x73: {  	[tilespmem:s15], [sflag:$0x2] =	stream.linear.gather @!p2 [hbm4b:s14+s16], $0x2000, $0x38;
	[tilespmem:$0xB200] =	vst v63  }
0x74: {  	s13 =	sadd.s32 @!p2 s7, s13;
	s12 =	sadd.s32 @!p2 $0x7200, s12  }
0x75: {  	[tilespmem:s12], [sflag:$0x2] =	stream.linear.gather @!p2 [hbm4b:s13+s16], $0x2000, $0x38;
	[tilespmem:$0xB200] =	vst v63  }
0x76: {  	p2 =	seq.s32 s11, $0x0  }
.Ltmp7:
0x77: {  	_ = 	snop;
	(pc) =	sbr.rel @p2 .LBB3_5-.Ltmp7, $1  }
0x78: {  	_ =	sdelay $0x3  }
0x79: {  	s12 =	simm.s32 $0x1  }
0x7a: {  	_ =	swait.ge [sflag:s6], $0x4000;
	s12 =	simm.s32 @!p1 $0x0  }
0x7b: {  	[sflag:s6] =	ssyncset.done $0x0;
	s12 =	sshll.u32 s12, $0xD  }
0x7c: {  	[sflag:s6] =	ssyncadd.s32 $0xFFFFC000;
	s14 =	sadd.s32 $0x3200, s12  }
0x7d: {  	v0 =	vld.msk [tilespmem:s14+$0x0 ss:$0x1], $0xffff;
	_ =	sdelay $0x4  }
0x7e: {  	v0 =	vmin.u32 v0, $0x32000;
	_ =	sdelay $0x3  }
0x7f: {  	s13 =	simm.s32 $0x0;
	s12 =	sadd.s32 $0x7200, s12;
	s14 =	sadd.s32 $0x10, s14  }
0x80: {  	[spmem:s9] =	stream.indirect_vreg.scatter.add.s32 [tilespmem:s12], [sflag:$0x1], $0x1, v0, vm0, $0x4038;
	[tilespmem:$0xB200] =	vst v63  }
.LBB3_3:
0x81: {  	v0 =	vld.msk [tilespmem:s14+$0x0 ss:$0x1], $0xffff;
	s13 =	sadd.s32 $0x10, s13  }
0x82: {  	p2 =	slt.u32 s13, $0x1FF0;
	_ =	sdelay $0x4  }
0x83: {  	v0 =	vmin.u32 v0, $0x32000  }
.Ltmp8:
0x84: {  	(pc) =	sbr.rel @p2 .LBB3_3-.Ltmp8, $3  }
0x85: {  	_ =	sdelay $0x1  }
0x86: {  	s14 =	sadd.s32 $0x10, s14;
	s12 =	sadd.s32 $0x10, s12  }
0x87: {  	[spmem:s9] =	stream.indirect_vreg.scatter.add.s32 [tilespmem:s12], [sflag:$0x1], $0x1, v0, vm0, $0x4038;
	[tilespmem:$0xB200] =	vst v63  }
.Ltmp9:
0x88: {  	(pc) =	sbr.rel .LBB3_5-.Ltmp9, $4  }
0x89: {  	_ = 	snop  }
0x8a: {  	_ =	swait.ge [sflag:s5], $0x2000  }
0x8b: {  	[sflag:s5] =	ssyncset.done $0x0  }
0x8c: {  	[sflag:s5] =	ssyncadd.s32 $0xFFFFE000  }
.LBB3_6:
0x8d: {  	_ =	sfence.sel $0x180000  }
0x8e: {  	s2 =	simm.s32 $0x2;
	[bflag:$0x0] =	sbarrier.arrive $0xFFFF  }
0x8f: {  	s30 =	simm.s32 $0x1;
	[sflag:s2] =	ssyncpa.u1 $0x1  }
0x90: {  	[sflag:s30] =	ssyncpa.u1 $0x1  }
0x91: {  	_ =	sfence.stream.spmem  }
0x92: {  	s31 =	simm.s32 $0x3D;
	[bflag:$0x0] =	sbarrier.arrive $0xFFFF  }
0x93: {  	s2 =	simm.s32 @p0 $0x3D;
	[sflag:s31] =	ssyncpa.u1 $0x0  }
0x94: {  	[sflag:s2] =	ssyncpa.u1 @p0 $0x1  }
0x95: {  	[bflag:$0x0] =	sbarrier.arrive @p0 $0xFFFF  }
0x96: {  	_ =	strace @p0 $0x9000004A  }
0x97: {  	s3 =	simm.s32 @!p0 $0x1C3D;
	s2 =	simm.s32 @!p0 $0x0;
	[bflag:$0x2] =	sbarrier.arrive @p0 $0xFFFF  }
0x98: {  	[hbm:s1], [sflag:s3] =	dma.local @!p0 [spmem:s2], $0x6400  }
0x99: {  	s1 =	simm.s32 @!p0 $0x3D  }
0x9a: {  	_ =	swait.ge @!p0 [sflag:s1], $0x6400  }
0x9b: {  	[sflag:s1] =	ssyncset.done @!p0 $0x0  }
0x9c: {  	[sflag:s1] =	ssyncadd.s32 @!p0 $0xFFFF9C00  }
0x9d: {  	[sflag:s1] =	ssyncpa.u1 @!p0 $0x1  }
0x9e: {  	[bflag:$0x0] =	sbarrier.arrive @!p0 $0xFFFF  }
0x9f: {  	_ =	strace @!p0 $0x9000004A  }
0xa0: {  	s0 =	sadd.s32 @!p0 $0x100000, s0;
	[bflag:$0x2] =	sbarrier.arrive @!p0 $0xFFFF  }
0xa1: {  	[sflag:s0] =	ssyncadd.tile.s32 @!p0 $0x1;
	_ =	shalt  }
.Lfunc_end3:
_tile_overlayer_lowered:
.L_overlay_start_3:
0xa2: {  	(tag) =	ssettag $0x3  }
0xa3: {  	s0 =	rddreg [dreg:$0x0];
	s2 =	stileid.u32  }
0xa4: {  	s1 =	rddreg [dreg:$0x1];
	p0 =	sne.s32 s2, $0x0  }
0xa5: {  	s3 =	rddreg [dreg:$0x2];
	[bflag:$0x3] =	sbarrier.arrive $0xFFFF;
	s2 =	simm.s32 @!p0 $0x1C01  }
0xa6: {  	[timem:s3], [sflag:s2] =	dma.local @!p0 [hbm:s0], s1  }
0xa7: {  	s0 =	simm.s32 @!p0 $0x1  }
0xa8: {  	_ =	swait.ge @!p0 [sflag:s0], s1  }
0xa9: {  	s1 =	ssub.s32 @!p0 $0x0, s1;
	[sflag:s0] =	ssyncset.done @!p0 $0x0  }
0xaa: {  	[sflag:s0] =	ssyncadd.s32 @!p0 s1  }
0xab: {  	[bflag:$0x3] =	sbarrier.arrive $0xFFFF  }
0xac: {  	_ =	shalt  }

// kernel: sparse-core-data-format-call.cloned.1.call-start
scs
called_computation.2_lowered:
.L_overlay_start_0:
0x0: {  	s2 =	sld [smem:$0x3FD9]  }
0x1: {  	s3 =	sld [smem:$0x3FFE];
	_ =	sdelay $0x1  }
0x2: {  	s1 =	srdreg.scid  }
0x3: {  	s0 =	sand.u32 $0x1, s1  }
0x4: {  	s18 =	sshll.u32 s0, $0xA;
	s2 =	sadd.s32 s3, s2  }
0x5: {  	s2 =	sadd.s32 s2, s18  }
0x6: {  	[smem:$0x3FC0] =	sst s2  }
0x7: {  	_ = 	snop  }
0x8: {  	s2 =	sld [smem:$0x3FD0];
	(tm) =	ssettm $0x1  }
0x9: {  	s19 =	sld [smem:$0x3FFB];
	_ =	sdelay $0x3  }
0xa: {  	_ =	strace s19  }
0xb: {  	s3 =	sld [smem:$0x3FFC];
	_ =	sdelay $0x3  }
0xc: {  	_ =	strace s3  }
0xd: {  	s3 =	sld [smem:$0x3FFD];
	_ =	sdelay $0x3  }
0xe: {  	_ =	strace s3  }
0xf: {  	_ =	strace $0x8FFFFFFF  }
0x10: {  	s20 =	sld [smem:$0x3FDB];
	_ =	sdelay $0x1  }
0x11: {  	s4 =	simm.s32 $_scs_section_size  }
0x12: {  	s5 =	simm.s32 $_size__tile_overlayer_lowered;
	s6 =	simm.s32 $_tile_overlayer_lowered  }
0x13: {  	s23 =	simm.s32 $0x1BFF;
	s22 =	sshll.u32 s6, $0x1;
	s3 =	sadd.s32 s4, s20  }
0x14: {  	s7 =	simm.s32 $0x0;
	s21 =	sshll.u32 s5, $0x1;
	s5 =	sadd.s32 s22, s3  }
0x15: {  	[timem:s7], [sflag:s23] =	dma.local [hbm:s5], s21  }
0x16: {  	_ =	swait.ge [sflag:s23], s21  }
0x17: {  	s4 =	ssub.s32 $0x0, s21;
	[sflag:s23] =	ssyncset.done $0x0  }
0x18: {  	[sflag:s23] =	ssyncadd.s32 s4;
	_ =	sdelay $0x1  }
0x19: {  	s24 =	simm.s32 $0x1B8B  }
0x1a: {  	_ =	swait.ge [sflag:s24], $0x1  }
0x1b: {  	[sflag:s24] =	ssyncset.done $0x0  }
0x1c: {  	s26 =	simm.s32 $0x1B8E;
	s25 =	sld [smem:$0x3FFE];
	[sflag:s24] =	ssyncadd.s32 $0xFFFFFFFF  }
0x1d: {  	s27 =	simm.s32 $execute0_lowered;
	[smem:$0x3FD2] =	sst s26  }
0x1e: {  	s5 =	sshll.u32 s27, $0x1;
	_ =	strace $0x80000052;
	[dreg:$0x1] =	wrdreg $0xFFFFFFFF  }
0x1f: {  	s28 =	simm.s32 $_size_execute0_lowered;
	s3 =	sadd.s32 s3, s5;
	[dreg:$0x0] =	wrdreg $0x0  }
0x20: {  	s5 =	sshll.u32 s28, $0x1;
	[dreg:$0x2] =	wrdreg s3  }
0x21: {  	[dreg:$0x3] =	wrdreg s5  }
0x22: {  	[dreg:$0x4] =	wrdreg $0xC0  }
0x23: {  	_ =	task [dreg:s7], $0x5FFFF  }
0x24: {  	[dreg:$0x1] =	wrdreg $0xFFFFFFFF  }
0x25: {  	[dreg:$0x0] =	wrdreg $0x60  }
0x26: {  	[dreg:$0x2] =	wrdreg s25  }
0x27: {  	[dreg:$0x3] =	wrdreg s2  }
0x28: {  	[dreg:$0x4] =	wrdreg $0x9  }
0x29: {  	_ =	task.clear_ibuf [dreg:s7], $0x5FFFF;
	_ =	strace $0x90000052  }
0x2a: {  	s29 =	simm.s32 $0x9;
	_ =	strace $0x80000054  }
0x2b: {  	_ =	swait.ge [sflag:s29], $0x1  }
0x2c: {  	[sflag:s29] =	ssyncadd.s32 $0xFFFFFFFF  }
0x2d: {  	_ =	strace $0x90000054  }
0x2e: {  	_ =	sfence  }
0x2f: {  	s30 =	sld [smem:$0x0];
	_ =	sdelay $0x2  }
0x30: {  	s31 =	sshll.u32 s1, $0xD;
	s1 =	sshrl.u32 s1, $0x2  }
0x31: {  	s3 =	sand.u32 $0x4000, s31;
	s1 =	sadd.s32 s1, s30  }
0x32: {  	s0 =	sor.u32 s3, s0;
	s1 =	sshll.u32 s1, $0x11  }
0x33: {  	s0 =	sor.u32 s1, s0  }
0x34: {  	s0 =	sadd.s32 $0x8F2B, s0  }
0x35: {  	[sflag:s0] =	ssyncadd.remote.s32 $0x1  }
0x36: {  	_ =	sfence.sel $0xFFFF  }
0x37: {  	[dreg:$0x0] =	wrdreg $0xFFFFFFFF;
	(pc) =	sbr.abs _section_cstart, $3  }
0x38: {  	[dreg:$0x1] =	wrdreg $0xFFFFFFFF  }
0x39: {  	_ =	task.clear_ibuf [dreg:s7], $0x2FFFF;
	_ =	strace $0x9FFFFFFF  }
0x3a: {  	(tm) =	ssettm $0x7FFFFFFF  }
0x3b: {  	_ =	shalt  }
tec
execute0_lowered:
.L_overlay_start_1:
0x0: {  	(tag) =	ssettag $0x1  }
0x1: {  	s0 =	stileid.u32;
	s6 =	rddreg [dreg:$0x0]  }
0x2: {  	s2 =	rddreg [dreg:$0x1];
	s5 =	srdreg.scid  }
0x3: {  	s31 =	simm.s32 $0x2;
	s13 =	simm.s32 $0x0;
	s1 =	sshll.u32 s0, $0x7  }
0x4: {  	s14 =	simm.s32 $0x0;
	s12 =	simm.s32 $0x0;
	s3 =	sand.u32 $0x380, s1  }
0x5: {  	s5 =	sshll.u32 s5, $0x4;
	s6 =	sadd.s32 $0x5ABE00, s6;
	s4 =	ssub.s32 $0x400, s3  }
0x6: {  	s1 =	rddreg [dreg:$0x2];
	_ =	strace $0x80000053;
	s7 =	sand.u32 $0x380, s4  }
0x7: {  	s5 =	sand.u32 $0x10, s5;
	p0 =	sne.s32 s7, $0x0;
	s7 =	simm.s32 $0x1  }
.Ltmp0:
0x8: {  	s8 =	sshrl.u32 s4, $0xA;
	s7 =	simm.s32 @!p0 $0x0;
	(pc) =	sbr.rel .LBB1_1-.Ltmp0, $4  }
0x9: {  	s9 =	sor.u32 s0, s5;
	s4 =	simm.s32 $0x1;
	s30 =	sadd.s32 s7, s8  }
0xa: {  	s11 =	smov.u32 s3;
	[sflag:s4] =	ssyncpa.u1 $0x0;
	s5 =	smul.u32 $0x32, s30  }
0xb: {  	[sflag:s31] =	ssyncpa.u1 $0x0;
	p0 =	por $0x0, $0x0;
	s7 =	sshrl.u32 s9, $0x3  }
0xc: {  	s9 =	simm.s32 $0x2000;
	s10 =	smov.u32 s7;
	s8 =	sor.u32 $0x1, s5  }
.LBB1_4:
0xd: {  	s17 =	sand.u32 $0x1F80, s14;
	s13 =	sshll.u32 s13, $0xD  }
0xe: {  	[tilespmem:s16+$0x810 ss:$0x81] =	vst.msk $0xffff, v2;
	s18 =	sshrl.u32 s14, $0x3;
	s31 =	sand.u32 $0x7, s14;
	s17 =	sadd.s32 s2, s17  }
0xf: {  	[tilespmem:s16+$0x1020 ss:$0x81] =	vst.msk $0xffff, v0;
	s18 =	sand.u32 $0xF, s18;
	s14 =	sshll.u32 s31, $0x12;
	s13 =	sadd.s32 s13, s17  }
0x10: {  	[tilespmem:s16+$0x0 ss:$0x81] =	vst.msk $0xffff, v1;
	s14 =	sor.u32 $0x400, s14;
	s13 =	sadd.s32 s18, s13  }
0x11: {  	[hbm4b:s13+s14] =	stream.strided.scatter [tilespmem:s15], [sflag:$0x2], $0x2000, s9, s14, $0x20;
	[tilespmem:$0x8080] =	vst v63  }
.LBB1_5:
0x12: {  	s15 =	sadd.s32 $0x4, s10  }
0x13: {  	s13 =	sadd.s32 $0x400, s11;
	s17 =	smov.u32 s11;
	p2 =	sgt.s32 s15, $0xC7  }
0x14: {  	s17 =	smov.u32 @p2 s13  }
0x15: {  	s15 =	smov.u32 @p2 s7;
	p2 =	sgt.s32 s17, $0x3FF  }
0x16: {  	s17 =	smov.u32 @p2 s3;
	p2 =	sne.s32 s12, s8  }
.Ltmp1:
0x17: {  	p1 =	slt.u32 s12, $0x2;
	(pc) =	sbr.rel @!p2 .LBB1_6-.Ltmp1, $4  }
0x18: {  	s16 =	simm.s32 @!p1 $0x2  }
0x19: {  	s14 =	smov.u32 s11;
	p0 =	por !p0, !p0;
	_ =	swait.ge @!p1 [sflag:s16], $0x2000  }
0x1a: {  	s13 =	smov.u32 s10;
	[sflag:s16] =	ssyncset.done @!p1 $0x0;
	s10 =	smov.u32 s15  }
0x1b: {  	s12 =	sadd.s32 $0x1, s12;
	[sflag:s16] =	ssyncadd.s32 @!p1 $0xFFFFE000;
	s11 =	smov.u32 s17  }
.LBB1_1:
0x1c: {  	p1 =	sge.u32 s12, s5  }
0x1d: {  	s15 =	sand.u32 @!p1 $0x1FFFFFF, s10  }
0x1e: {  	s16 =	smulhi.u32 @!p1 $0x147AE15, s15;
	_ =	sdelay $0x1  }
0x1f: {  	s16 =	smul.u32 @!p1 $0xC8, s16  }
0x20: {  	s17 =	sxor.u32 @!p1 $0xFFFFFFFF, s12;
	s18 =	smul.u32 @!p1 $0xC80, s11  }
0x21: {  	s31 =	sadd.s32 $0xFFFFFFFF, s12;
	s17 =	sshll.u32 @!p1 s17, $0xD;
	s15 =	ssub.s32 @!p1 s15, s16  }
0x22: {  	s16 =	sand.u32 @!p1 $0x2000, s17;
	s17 =	sadd.s32 @!p1 s6, s18;
	s15 =	sshll.u32 @!p1 s15, $0x4  }
0x23: {  	s18 =	simm.s32 @!p1 $0x6400;
	s15 =	sadd.s32 @!p1 s15, s17;
	s17 =	simm.s32 @!p1 $0x40  }
0x24: {  	[tilespmem:s16], [sflag:$0x1] =	stream.strided.gather @!p1 [hbm4b:s15+s17], $0x2000, s18, s17, $0x38;
	[tilespmem:$0x8080] =	vst v63  }
0x25: {  	p1 =	sge.u32 s31, s5  }
.Ltmp2:
0x26: {  	_ = 	snop;
	(pc) =	sbr.rel @p1 .LBB1_5-.Ltmp2, $1  }
0x27: {  	_ =	sdelay $0x3  }
0x28: {  	s15 =	simm.s32 $0x1  }
0x29: {  	_ =	swait.ge [sflag:s4], $0x2000;
	s15 =	simm.s32 @!p0 $0x0  }
0x2a: {  	[sflag:s4] =	ssyncset.done $0x0;
	s16 =	sshll.u32 s15, $0xD  }
0x2b: {  	[sflag:s4] =	ssyncadd.s32 $0xFFFFE000;
	s19 =	sor.u32 $0x20, s16  }
0x2c: {  	s15 =	smul.u32 $0x8100, s15;
	v3 =	vld [tilespmem:s19+$0x10]  }
0x2d: {  	s30 =	sand.u32 $0x1, s12;
	v2 =	vld [tilespmem:s19+$0xFFFFFFF0]  }
0x2e: {  	s16 =	smul.u32 $0x8100, s30;
	s15 =	sshrl.u32 s15, $0x2;
	v0 =	vld [tilespmem:s19+$0x0]  }
0x2f: {  	v1 =	vld [tilespmem:s19+$0xFFFFFFE0];
	s17 =	sor.u32 $0x4000, s15  }
0x30: {  	s31 =	sshrl.u32 s16, $0x2;
	s16 =	sadd.s32 $0x0, s17  }
0x31: {  	s18 =	simm.s32 $0x4;
	s19 =	sadd.s32 $0x40, s19;
	s15 =	sor.u32 $0x4000, s31;
	[tilespmem:s16+$0x1830 ss:$0x81] =	vst.msk $0xffff, v3  }
.LBB1_3:
0x32: {  	v3 =	vld [tilespmem:s19+$0x10];
	p1 =	sne.s32 s18, $0x1FC;
	[tilespmem:s16+$0x810 ss:$0x81] =	vst.msk $0xffff, v2;
	s20 =	smov.u32 s18;
	s18 =	sadd.s32 $0x4, s18  }
.Ltmp3:
0x33: {  	v2 =	vld [tilespmem:s19+$0xFFFFFFF0];
	[tilespmem:s16+$0x1020 ss:$0x81] =	vst.msk $0xffff, v0;
	(pc) =	sbr.rel @p1 .LBB1_3-.Ltmp3, $4  }
0x34: {  	v0 =	vld [tilespmem:s19+$0x0];
	[tilespmem:s16+$0x0 ss:$0x81] =	vst.msk $0xffff, v1  }
0x35: {  	s16 =	sshra.s32 s20, $0x2;
	v1 =	vld [tilespmem:s19+$0xFFFFFFE0]  }
0x36: {  	s16 =	sadd.s32 s16, s17  }
0x37: {  	s19 =	sadd.s32 $0x40, s19;
	[tilespmem:s16+$0x1830 ss:$0x81] =	vst.msk $0xffff, v3  }
.Ltmp4:
0x38: {  	_ = 	snop;
	(pc) =	sbr.rel .LBB1_4-.Ltmp4, $1  }
0x39: {  	_ =	sdelay $0x3  }
.LBB1_6:
0x3a: {  	_ =	sfence.sel $0x180000  }
0x3b: {  	s2 =	simm.s32 $0x1;
	[bflag:$0x0] =	sbarrier.arrive $0xFFFF  }
0x3c: {  	s31 =	simm.s32 $0x2;
	[sflag:s2] =	ssyncpa.u1 $0x1  }
0x3d: {  	[sflag:s31] =	ssyncpa.u1 $0x1  }
0x3e: {  	p0 =	sne.s32 s0, $0x0;
	_ =	strace $0x90000053  }
0x3f: {  	s0 =	sadd.s32 @!p0 $0x100000, s1;
	[bflag:$0x2] =	sbarrier.arrive $0xFFFF  }
0x40: {  	[sflag:s0] =	ssyncadd.tile.s32 @!p0 $0x1;
	_ =	shalt  }
.Lfunc_end1:
_tile_overlayer_lowered:
.L_overlay_start_2:
0x41: {  	(tag) =	ssettag $0x2  }
0x42: {  	s0 =	rddreg [dreg:$0x0];
	s2 =	stileid.u32  }
0x43: {  	s1 =	rddreg [dreg:$0x1];
	p0 =	sne.s32 s2, $0x0  }
0x44: {  	s3 =	rddreg [dreg:$0x2];
	[bflag:$0x3] =	sbarrier.arrive $0xFFFF;
	s2 =	simm.s32 @!p0 $0x1C01  }
0x45: {  	[timem:s3], [sflag:s2] =	dma.local @!p0 [hbm:s0], s1  }
0x46: {  	s0 =	simm.s32 @!p0 $0x1  }
0x47: {  	_ =	swait.ge @!p0 [sflag:s0], s1  }
0x48: {  	s1 =	ssub.s32 @!p0 $0x0, s1;
	[sflag:s0] =	ssyncset.done @!p0 $0x0  }
0x49: {  	[sflag:s0] =	ssyncadd.s32 @!p0 s1  }
0x4a: {  	[bflag:$0x3] =	sbarrier.arrive $0xFFFF  }
0x4b: {  	_ =	shalt  }

</sc_bundles>
